<compile_context>
chip_gen: v7x
topology: tpu7x:2x2x1
jax: 0.10.2.dev20260603
libtpu: 0.0.44.dev20260713+nightly
codegen_flags: <defaults>
</compile_context>

<pallas_src>
import functools

import jax
import jax.numpy as jnp
from jax import lax
from jax.experimental import pallas as pl
from jax.experimental.pallas import tpu as pltpu
from jax.experimental.pallas import tpu_sc as plsc

_NC = 2
_NS = 16
_NW = _NC * _NS

_B = 4 * 8192
_D = 1024
_BPW = _B // _NW
_C = 16
_NG = _BPW // _C
_NBUF = 7

_mesh = plsc.VectorSubcoreMesh(core_axis_name="c", subcore_axis_name="s")


@functools.partial(
    pl.kernel,
    mesh=_mesh,
    out_type=jax.ShapeDtypeStruct((_B, _D), jnp.float32),
    scratch_types=[
        pltpu.VMEM((_BPW,), jnp.int32),
        pltpu.VMEM((_NBUF, _C, _D), jnp.float32),
        pltpu.SemaphoreType.DMA,
        pltpu.SemaphoreType.DMA,
        pltpu.SemaphoreType.DMA,
        pltpu.SemaphoreType.DMA,
        pltpu.SemaphoreType.DMA,
        pltpu.SemaphoreType.DMA,
    ],
)
def _gather_kernel(
    idx_hbm, table_hbm, out_hbm, idx_v, rows_v, gs0, gs1, gs2, gs3, ws0, ws1
):
    wid = lax.axis_index("s") * _NC + lax.axis_index("c")
    base = wid * _BPW
    pltpu.sync_copy(idx_hbm.at[pl.ds(base, _BPW)], idx_v)

    def gather_desc(g, gsem):
        return pltpu.make_async_copy(
            table_hbm.at[idx_v.at[pl.ds(g * _C, _C)]],
            rows_v.at[lax.rem(g, _NBUF)],
            gsem,
        )

    def write_desc(g, wsem):
        return pltpu.make_async_copy(
            rows_v.at[lax.rem(g, _NBUF)],
            out_hbm.at[pl.ds(base + g * _C, _C)],
            wsem,
        )

    gss = (gs0, gs1, gs2, gs3)
    wss = (ws0, ws1)
    gather_desc(0, gs0).start()
    gather_desc(1, gs1).start()
    gather_desc(2, gs2).start()
    gather_desc(3, gs3).start()

    def body(g, gsem, wsem):
        gather_desc(g, gsem).wait()

        @pl.when(g >= 2)
        def _():
            write_desc(g - 2, wsem).wait()

        @pl.when(g < _NG - 4)
        def _():
            gather_desc(g + 4, gsem).start()

        write_desc(g, wsem).start()

    def step(g, _):
        r4 = lax.rem(g, 4)
        for a in range(4):

            @pl.when(r4 == a)
            def _(a=a):
                body(g, gss[a], wss[a % 2])

        return ()

    lax.fori_loop(0, _NG, step, ())
    write_desc(_NG - 2, ws0).wait()
    write_desc(_NG - 1, ws1).wait()


def kernel(X, table):
    idx = X.reshape(-1).astype(jnp.int32)
    out = _gather_kernel(idx, table)
    return out.reshape(X.shape + (table.shape[1],))

# --- scband reference (transcript-rebuilt; emitter-appended) ---
"""Pipeline reference for scband-position-embedding-28733331210252 (READ-ONLY COPY).

The authoritative reference and input builder live on the scoring server;
editing this copy changes nothing except your own understanding.
"""

import jax, jax.numpy as jnp
import numpy as np


def setup_inputs(seed: int = 0) -> dict:
    key = jax.random.key(seed)
    k1, k2 = jax.random.split(key)
    X = jax.random.randint(k1, (4, 8192), 0, 8192, dtype=jnp.int64) if jax.config.jax_enable_x64 else jax.random.randint(k1, (4, 8192), 0, 8192, dtype=jnp.int32)
    table = jax.random.normal(k2, (8192, 1024), dtype=jnp.float32)
    return {"X": X, "table": table}


def reference(X, table):
    # PositionEmbedding.forward with learn=True: nn.Embedding lookup
    return jnp.take(table, X, axis=0)

if __name__ == "__main__":
    import jax
    _d = setup_inputs()
    print(jax.jit(kernel)(*tuple(_d.values())))

</pallas_src>

<mosaic_0001>
#map = affine_map<(d0, d1) -> (0)>
#map1 = affine_map<(d0, d1) -> (0, 0)>
module attributes {stable_mosaic.version = 14 : i64} {
  func.func @_gather_kernel(%arg0: i32, %arg1: i32, %arg2: memref<32768xi32, #tpu.memory_space<hbm>>, %arg3: memref<8192x1024xf32, #tpu.memory_space<hbm>>, %arg4: memref<32768x1024xf32, #tpu.memory_space<hbm>>, %arg5: memref<1024xi32, #tpu.memory_space<vmem>>, %arg6: memref<7x16x1024xf32, #tpu.memory_space<vmem>>, %arg7: memref<!tpu.dma_semaphore, #tpu.memory_space<semaphore_mem>>, %arg8: memref<!tpu.dma_semaphore, #tpu.memory_space<semaphore_mem>>, %arg9: memref<!tpu.dma_semaphore, #tpu.memory_space<semaphore_mem>>, %arg10: memref<!tpu.dma_semaphore, #tpu.memory_space<semaphore_mem>>, %arg11: memref<!tpu.dma_semaphore, #tpu.memory_space<semaphore_mem>>, %arg12: memref<!tpu.dma_semaphore, #tpu.memory_space<semaphore_mem>>) attributes {dimension_semantics = [#tpu.dimension_semantics<core_parallel>, #tpu.dimension_semantics<subcore_parallel>], iteration_bounds = array<i64: 2, 16>, scalar_prefetch = 0 : i64, scratch_operands = 8 : i64, tpu.core_type = #tpu.core_type<sc_vector_subcore>, window_params = [{transform_indices = #map}, {transform_indices = #map1}, {transform_indices = #map1}]} {
    %mul3A = arith.constant 2 : i32
    %mul3A_0 = arith.muli %arg1, %mul3A : i32
    %add3A = arith.addi %mul3A_0, %arg0 : i32
    %mul3A_1 = arith.constant 1024 : i32
    %mul3A_2 = arith.muli %add3A, %mul3A_1 : i32
    "tpu.region"() ({
      %run_scoped3A = tpu.sem_alloc : memref<!tpu.dma_semaphore, #tpu.memory_space<semaphore_mem>>
      %dma_start3A_86 = tpu.memref_slice %arg2[%mul3A_2] : memref<32768xi32, #tpu.memory_space<hbm>> -> memref<1024xi32, #tpu.memory_space<hbm>>
      %dma_start3A_87 = tpu.memref_slice %arg2[%mul3A_2] : memref<32768xi32, #tpu.memory_space<hbm>> -> memref<1024xi32, #tpu.memory_space<hbm>>
      tpu.enqueue_dma source(%dma_start3A_87 : memref<1024xi32, #tpu.memory_space<hbm>>) target(%arg5 : memref<1024xi32, #tpu.memory_space<vmem>>) target_semaphore(%run_scoped3A : memref<!tpu.dma_semaphore, #tpu.memory_space<semaphore_mem>>)
      %dma_wait3A_88 = tpu.memref_slice %arg2[%mul3A_2] : memref<32768xi32, #tpu.memory_space<hbm>> -> memref<1024xi32, #tpu.memory_space<hbm>>
      %dma_wait3A_89 = tpu.memref_slice %arg2[%mul3A_2] : memref<32768xi32, #tpu.memory_space<hbm>> -> memref<1024xi32, #tpu.memory_space<hbm>>
      tpu.wait_dma2 semaphore(%run_scoped3A : memref<!tpu.dma_semaphore, #tpu.memory_space<semaphore_mem>>) src(%dma_wait3A_89 : memref<1024xi32, #tpu.memory_space<hbm>>) dst(%arg5 : memref<1024xi32, #tpu.memory_space<vmem>>)
      tpu.yield
    }) : () -> ()
    %rem3A = arith.constant 0 : i32
    %rem3A_3 = arith.constant 7 : i32
    %rem3A_4 = arith.remsi %rem3A, %rem3A_3 : i32
    %dma_start3A = arith.constant 0 : i32
    %dma_start3A_5 = arith.constant 0 : i32
    %dma_start3A_6 = tpu.memref_slice %arg6[%rem3A_4, %dma_start3A, %dma_start3A_5] : memref<7x16x1024xf32, #tpu.memory_space<vmem>> -> memref<1x16x1024xf32, #tpu.memory_space<vmem>>
    %dma_start3A_7 = tpu.memref_squeeze %dma_start3A_6 : memref<1x16x1024xf32, #tpu.memory_space<vmem>> -> memref<16x1024xf32, #tpu.memory_space<vmem>>
    %dma_start3A_8 = arith.constant 0 : i32
    %dma_start3A_9 = tpu.memref_slice %arg5[%dma_start3A_8] : memref<1024xi32, #tpu.memory_space<vmem>> -> memref<16xi32, #tpu.memory_space<vmem>>
    %dma_start3A_10 = arith.constant 0 : i32
    %dma_start3A_11 = arith.constant 0 : i32
    %dma_start3A_12 = tpu.memref_slice %arg3[%dma_start3A_10, %dma_start3A_11] : memref<8192x1024xf32, #tpu.memory_space<hbm>> -> memref<8192x1024xf32, #tpu.memory_space<hbm>>
    tpu.enqueue_indirect_dma source(%dma_start3A_12 : memref<8192x1024xf32, #tpu.memory_space<hbm>>) target(%dma_start3A_7 : memref<16x1024xf32, #tpu.memory_space<vmem>>) offsets(%dma_start3A_9 : memref<16xi32, #tpu.memory_space<vmem>>) semaphore(%arg7 : memref<!tpu.dma_semaphore, #tpu.memory_space<semaphore_mem>>)
    %rem3A_13 = arith.constant 1 : i32
    %rem3A_14 = arith.constant 7 : i32
    %rem3A_15 = arith.remsi %rem3A_13, %rem3A_14 : i32
    %dma_start3A_16 = arith.constant 0 : i32
    %dma_start3A_17 = arith.constant 0 : i32
    %dma_start3A_18 = tpu.memref_slice %arg6[%rem3A_15, %dma_start3A_16, %dma_start3A_17] : memref<7x16x1024xf32, #tpu.memory_space<vmem>> -> memref<1x16x1024xf32, #tpu.memory_space<vmem>>
    %dma_start3A_19 = tpu.memref_squeeze %dma_start3A_18 : memref<1x16x1024xf32, #tpu.memory_space<vmem>> -> memref<16x1024xf32, #tpu.memory_space<vmem>>
    %dma_start3A_20 = arith.constant 16 : i32
    %dma_start3A_21 = tpu.memref_slice %arg5[%dma_start3A_20] : memref<1024xi32, #tpu.memory_space<vmem>> -> memref<16xi32, #tpu.memory_space<vmem>>
    %dma_start3A_22 = arith.constant 0 : i32
    %dma_start3A_23 = arith.constant 0 : i32
    %dma_start3A_24 = tpu.memref_slice %arg3[%dma_start3A_22, %dma_start3A_23] : memref<8192x1024xf32, #tpu.memory_space<hbm>> -> memref<8192x1024xf32, #tpu.memory_space<hbm>>
    tpu.enqueue_indirect_dma source(%dma_start3A_24 : memref<8192x1024xf32, #tpu.memory_space<hbm>>) target(%dma_start3A_19 : memref<16x1024xf32, #tpu.memory_space<vmem>>) offsets(%dma_start3A_21 : memref<16xi32, #tpu.memory_space<vmem>>) semaphore(%arg8 : memref<!tpu.dma_semaphore, #tpu.memory_space<semaphore_mem>>)
    %rem3A_25 = arith.constant 2 : i32
    %rem3A_26 = arith.constant 7 : i32
    %rem3A_27 = arith.remsi %rem3A_25, %rem3A_26 : i32
    %dma_start3A_28 = arith.constant 0 : i32
    %dma_start3A_29 = arith.constant 0 : i32
    %dma_start3A_30 = tpu.memref_slice %arg6[%rem3A_27, %dma_start3A_28, %dma_start3A_29] : memref<7x16x1024xf32, #tpu.memory_space<vmem>> -> memref<1x16x1024xf32, #tpu.memory_space<vmem>>
    %dma_start3A_31 = tpu.memref_squeeze %dma_start3A_30 : memref<1x16x1024xf32, #tpu.memory_space<vmem>> -> memref<16x1024xf32, #tpu.memory_space<vmem>>
    %dma_start3A_32 = arith.constant 32 : i32
    %dma_start3A_33 = tpu.memref_slice %arg5[%dma_start3A_32] : memref<1024xi32, #tpu.memory_space<vmem>> -> memref<16xi32, #tpu.memory_space<vmem>>
    %dma_start3A_34 = arith.constant 0 : i32
    %dma_start3A_35 = arith.constant 0 : i32
    %dma_start3A_36 = tpu.memref_slice %arg3[%dma_start3A_34, %dma_start3A_35] : memref<8192x1024xf32, #tpu.memory_space<hbm>> -> memref<8192x1024xf32, #tpu.memory_space<hbm>>
    tpu.enqueue_indirect_dma source(%dma_start3A_36 : memref<8192x1024xf32, #tpu.memory_space<hbm>>) target(%dma_start3A_31 : memref<16x1024xf32, #tpu.memory_space<vmem>>) offsets(%dma_start3A_33 : memref<16xi32, #tpu.memory_space<vmem>>) semaphore(%arg9 : memref<!tpu.dma_semaphore, #tpu.memory_space<semaphore_mem>>)
    %rem3A_37 = arith.constant 3 : i32
    %rem3A_38 = arith.constant 7 : i32
    %rem3A_39 = arith.remsi %rem3A_37, %rem3A_38 : i32
    %dma_start3A_40 = arith.constant 0 : i32
    %dma_start3A_41 = arith.constant 0 : i32
    %dma_start3A_42 = tpu.memref_slice %arg6[%rem3A_39, %dma_start3A_40, %dma_start3A_41] : memref<7x16x1024xf32, #tpu.memory_space<vmem>> -> memref<1x16x1024xf32, #tpu.memory_space<vmem>>
    %dma_start3A_43 = tpu.memref_squeeze %dma_start3A_42 : memref<1x16x1024xf32, #tpu.memory_space<vmem>> -> memref<16x1024xf32, #tpu.memory_space<vmem>>
    %dma_start3A_44 = arith.constant 48 : i32
    %dma_start3A_45 = tpu.memref_slice %arg5[%dma_start3A_44] : memref<1024xi32, #tpu.memory_space<vmem>> -> memref<16xi32, #tpu.memory_space<vmem>>
    %dma_start3A_46 = arith.constant 0 : i32
    %dma_start3A_47 = arith.constant 0 : i32
    %dma_start3A_48 = tpu.memref_slice %arg3[%dma_start3A_46, %dma_start3A_47] : memref<8192x1024xf32, #tpu.memory_space<hbm>> -> memref<8192x1024xf32, #tpu.memory_space<hbm>>
    tpu.enqueue_indirect_dma source(%dma_start3A_48 : memref<8192x1024xf32, #tpu.memory_space<hbm>>) target(%dma_start3A_43 : memref<16x1024xf32, #tpu.memory_space<vmem>>) offsets(%dma_start3A_45 : memref<16xi32, #tpu.memory_space<vmem>>) semaphore(%arg10 : memref<!tpu.dma_semaphore, #tpu.memory_space<semaphore_mem>>)
    %scan3A = arith.constant 0 : i32
    %scan3A_49 = arith.constant 64 : i32
    %scan3A_50 = arith.addi %scan3A, %scan3A_49 : i32
    %scan3A_51 = arith.constant 1 : i32
    scf.for %scan3A_86 = %scan3A to %scan3A_50 step %scan3A_51  : i32 {
      %rem3A_87 = arith.constant 4 : i32
      %rem3A_88 = arith.remsi %scan3A_86, %rem3A_87 : i32
      %eq3A = arith.constant 0 : i32
      %eq3A_89 = arith.cmpi eq, %rem3A_88, %eq3A : i32
      %convert_element_type3A = arith.extui %eq3A_89 : i1 to i32
      %cond3A = arith.constant 0 : i32
      %cond3A_90 = arith.cmpi ne, %convert_element_type3A, %cond3A : i32
      scf.if %cond3A_90 {
        %mul3A_106 = arith.constant 16 : i32
        %mul3A_107 = arith.muli %scan3A_86, %mul3A_106 : i32
        %rem3A_108 = arith.constant 7 : i32
        %rem3A_109 = arith.remsi %scan3A_86, %rem3A_108 : i32
        %dma_wait3A_110 = arith.constant 0 : i32
        %dma_wait3A_111 = arith.constant 0 : i32
        %dma_wait3A_112 = tpu.memref_slice %arg6[%rem3A_109, %dma_wait3A_110, %dma_wait3A_111] : memref<7x16x1024xf32, #tpu.memory_space<vmem>> -> memref<1x16x1024xf32, #tpu.memory_space<vmem>>
        %dma_wait3A_113 = tpu.memref_squeeze %dma_wait3A_112 : memref<1x16x1024xf32, #tpu.memory_space<vmem>> -> memref<16x1024xf32, #tpu.memory_space<vmem>>
        %dma_wait3A_114 = tpu.memref_slice %arg5[%mul3A_107] : memref<1024xi32, #tpu.memory_space<vmem>> -> memref<16xi32, #tpu.memory_space<vmem>>
        %dma_wait3A_115 = arith.constant 0 : i32
        %dma_wait3A_116 = arith.constant 0 : i32
        %dma_wait3A_117 = tpu.memref_slice %arg3[%dma_wait3A_115, %dma_wait3A_116] : memref<8192x1024xf32, #tpu.memory_space<hbm>> -> memref<8192x1024xf32, #tpu.memory_space<hbm>>
        tpu.wait_indirect_dma semaphore(%arg7 : memref<!tpu.dma_semaphore, #tpu.memory_space<semaphore_mem>>) src(%dma_wait3A_117 : memref<8192x1024xf32, #tpu.memory_space<hbm>>) dst(%dma_wait3A_113 : memref<16x1024xf32, #tpu.memory_space<vmem>>)
        %ge3A = arith.constant 2 : i32
        %ge3A_118 = arith.cmpi sge, %scan3A_86, %ge3A : i32
        %convert_element_type3A_119 = arith.extui %ge3A_118 : i1 to i32
        %cond3A_120 = arith.constant 0 : i32
        %cond3A_121 = arith.cmpi ne, %convert_element_type3A_119, %cond3A_120 : i32
        scf.if %cond3A_121 {
          %sub3A = arith.constant 2 : i32
          %sub3A_143 = arith.subi %scan3A_86, %sub3A : i32
          %rem3A_144 = arith.constant 7 : i32
          %rem3A_145 = arith.remsi %sub3A_143, %rem3A_144 : i32
          %mul3A_146 = arith.constant 16 : i32
          %mul3A_147 = arith.muli %sub3A_143, %mul3A_146 : i32
          %add3A_148 = arith.addi %mul3A_2, %mul3A_147 : i32
          %dma_wait3A_149 = arith.constant 0 : i32
          %dma_wait3A_150 = arith.constant 0 : i32
          %dma_wait3A_151 = tpu.memref_slice %arg6[%rem3A_145, %dma_wait3A_149, %dma_wait3A_150] : memref<7x16x1024xf32, #tpu.memory_space<vmem>> -> memref<1x16x1024xf32, #tpu.memory_space<vmem>>
          %dma_wait3A_152 = tpu.memref_squeeze %dma_wait3A_151 : memref<1x16x1024xf32, #tpu.memory_space<vmem>> -> memref<16x1024xf32, #tpu.memory_space<vmem>>
          %dma_wait3A_153 = arith.constant 0 : i32
          %dma_wait3A_154 = tpu.memref_slice %arg4[%add3A_148, %dma_wait3A_153] : memref<32768x1024xf32, #tpu.memory_space<hbm>> -> memref<16x1024xf32, #tpu.memory_space<hbm>>
          %dma_wait3A_155 = arith.constant 0 : i32
          %dma_wait3A_156 = tpu.memref_slice %arg4[%add3A_148, %dma_wait3A_155] : memref<32768x1024xf32, #tpu.memory_space<hbm>> -> memref<16x1024xf32, #tpu.memory_space<hbm>>
          %dma_wait3A_157 = arith.constant 0 : i32
          %dma_wait3A_158 = arith.constant 0 : i32
          %dma_wait3A_159 = tpu.memref_slice %arg6[%rem3A_145, %dma_wait3A_157, %dma_wait3A_158] : memref<7x16x1024xf32, #tpu.memory_space<vmem>> -> memref<1x16x1024xf32, #tpu.memory_space<vmem>>
          %dma_wait3A_160 = tpu.memref_squeeze %dma_wait3A_159 : memref<1x16x1024xf32, #tpu.memory_space<vmem>> -> memref<16x1024xf32, #tpu.memory_space<vmem>>
          tpu.wait_dma2 semaphore(%arg11 : memref<!tpu.dma_semaphore, #tpu.memory_space<semaphore_mem>>) src(%dma_wait3A_160 : memref<16x1024xf32, #tpu.memory_space<vmem>>) dst(%dma_wait3A_156 : memref<16x1024xf32, #tpu.memory_space<hbm>>)
        } else {
        }
        %lt3A = arith.constant 60 : i32
        %lt3A_122 = arith.cmpi slt, %scan3A_86, %lt3A : i32
        %convert_element_type3A_123 = arith.extui %lt3A_122 : i1 to i32
        %cond3A_124 = arith.constant 0 : i32
        %cond3A_125 = arith.cmpi ne, %convert_element_type3A_123, %cond3A_124 : i32
        scf.if %cond3A_125 {
          %add3A_143 = arith.constant 4 : i32
          %add3A_144 = arith.addi %scan3A_86, %add3A_143 : i32
          %mul3A_145 = arith.constant 16 : i32
          %mul3A_146 = arith.muli %add3A_144, %mul3A_145 : i32
          %rem3A_147 = arith.constant 7 : i32
          %rem3A_148 = arith.remsi %add3A_144, %rem3A_147 : i32
          %dma_start3A_149 = arith.constant 0 : i32
          %dma_start3A_150 = arith.constant 0 : i32
          %dma_start3A_151 = tpu.memref_slice %arg6[%rem3A_148, %dma_start3A_149, %dma_start3A_150] : memref<7x16x1024xf32, #tpu.memory_space<vmem>> -> memref<1x16x1024xf32, #tpu.memory_space<vmem>>
          %dma_start3A_152 = tpu.memref_squeeze %dma_start3A_151 : memref<1x16x1024xf32, #tpu.memory_space<vmem>> -> memref<16x1024xf32, #tpu.memory_space<vmem>>
          %dma_start3A_153 = tpu.memref_slice %arg5[%mul3A_146] : memref<1024xi32, #tpu.memory_space<vmem>> -> memref<16xi32, #tpu.memory_space<vmem>>
          %dma_start3A_154 = arith.constant 0 : i32
          %dma_start3A_155 = arith.constant 0 : i32
          %dma_start3A_156 = tpu.memref_slice %arg3[%dma_start3A_154, %dma_start3A_155] : memref<8192x1024xf32, #tpu.memory_space<hbm>> -> memref<8192x1024xf32, #tpu.memory_space<hbm>>
          tpu.enqueue_indirect_dma source(%dma_start3A_156 : memref<8192x1024xf32, #tpu.memory_space<hbm>>) target(%dma_start3A_152 : memref<16x1024xf32, #tpu.memory_space<vmem>>) offsets(%dma_start3A_153 : memref<16xi32, #tpu.memory_space<vmem>>) semaphore(%arg7 : memref<!tpu.dma_semaphore, #tpu.memory_space<semaphore_mem>>)
        } else {
        }
        %rem3A_126 = arith.constant 7 : i32
        %rem3A_127 = arith.remsi %scan3A_86, %rem3A_126 : i32
        %mul3A_128 = arith.constant 16 : i32
        %mul3A_129 = arith.muli %scan3A_86, %mul3A_128 : i32
        %add3A_130 = arith.addi %mul3A_2, %mul3A_129 : i32
        %dma_start3A_131 = arith.constant 0 : i32
        %dma_start3A_132 = arith.constant 0 : i32
        %dma_start3A_133 = tpu.memref_slice %arg6[%rem3A_127, %dma_start3A_131, %dma_start3A_132] : memref<7x16x1024xf32, #tpu.memory_space<vmem>> -> memref<1x16x1024xf32, #tpu.memory_space<vmem>>
        %dma_start3A_134 = tpu.memref_squeeze %dma_start3A_133 : memref<1x16x1024xf32, #tpu.memory_space<vmem>> -> memref<16x1024xf32, #tpu.memory_space<vmem>>
        %dma_start3A_135 = arith.constant 0 : i32
        %dma_start3A_136 = tpu.memref_slice %arg4[%add3A_130, %dma_start3A_135] : memref<32768x1024xf32, #tpu.memory_space<hbm>> -> memref<16x1024xf32, #tpu.memory_space<hbm>>
        %dma_start3A_137 = arith.constant 0 : i32
        %dma_start3A_138 = tpu.memref_slice %arg4[%add3A_130, %dma_start3A_137] : memref<32768x1024xf32, #tpu.memory_space<hbm>> -> memref<16x1024xf32, #tpu.memory_space<hbm>>
        %dma_start3A_139 = arith.constant 0 : i32
        %dma_start3A_140 = arith.constant 0 : i32
        %dma_start3A_141 = tpu.memref_slice %arg6[%rem3A_127, %dma_start3A_139, %dma_start3A_140] : memref<7x16x1024xf32, #tpu.memory_space<vmem>> -> memref<1x16x1024xf32, #tpu.memory_space<vmem>>
        %dma_start3A_142 = tpu.memref_squeeze %dma_start3A_141 : memref<1x16x1024xf32, #tpu.memory_space<vmem>> -> memref<16x1024xf32, #tpu.memory_space<vmem>>
        tpu.enqueue_dma source(%dma_start3A_142 : memref<16x1024xf32, #tpu.memory_space<vmem>>) target(%dma_start3A_138 : memref<16x1024xf32, #tpu.memory_space<hbm>>) target_semaphore(%arg11 : memref<!tpu.dma_semaphore, #tpu.memory_space<semaphore_mem>>)
      } else {
      }
      %eq3A_91 = arith.constant 1 : i32
      %eq3A_92 = arith.cmpi eq, %rem3A_88, %eq3A_91 : i32
      %convert_element_type3A_93 = arith.extui %eq3A_92 : i1 to i32
      %cond3A_94 = arith.constant 0 : i32
      %cond3A_95 = arith.cmpi ne, %convert_element_type3A_93, %cond3A_94 : i32
      scf.if %cond3A_95 {
        %mul3A_106 = arith.constant 16 : i32
        %mul3A_107 = arith.muli %scan3A_86, %mul3A_106 : i32
        %rem3A_108 = arith.constant 7 : i32
        %rem3A_109 = arith.remsi %scan3A_86, %rem3A_108 : i32
        %dma_wait3A_110 = arith.constant 0 : i32
        %dma_wait3A_111 = arith.constant 0 : i32
        %dma_wait3A_112 = tpu.memref_slice %arg6[%rem3A_109, %dma_wait3A_110, %dma_wait3A_111] : memref<7x16x1024xf32, #tpu.memory_space<vmem>> -> memref<1x16x1024xf32, #tpu.memory_space<vmem>>
        %dma_wait3A_113 = tpu.memref_squeeze %dma_wait3A_112 : memref<1x16x1024xf32, #tpu.memory_space<vmem>> -> memref<16x1024xf32, #tpu.memory_space<vmem>>
        %dma_wait3A_114 = tpu.memref_slice %arg5[%mul3A_107] : memref<1024xi32, #tpu.memory_space<vmem>> -> memref<16xi32, #tpu.memory_space<vmem>>
        %dma_wait3A_115 = arith.constant 0 : i32
        %dma_wait3A_116 = arith.constant 0 : i32
        %dma_wait3A_117 = tpu.memref_slice %arg3[%dma_wait3A_115, %dma_wait3A_116] : memref<8192x1024xf32, #tpu.memory_space<hbm>> -> memref<8192x1024xf32, #tpu.memory_space<hbm>>
        tpu.wait_indirect_dma semaphore(%arg8 : memref<!tpu.dma_semaphore, #tpu.memory_space<semaphore_mem>>) src(%dma_wait3A_117 : memref<8192x1024xf32, #tpu.memory_space<hbm>>) dst(%dma_wait3A_113 : memref<16x1024xf32, #tpu.memory_space<vmem>>)
        %ge3A = arith.constant 2 : i32
        %ge3A_118 = arith.cmpi sge, %scan3A_86, %ge3A : i32
        %convert_element_type3A_119 = arith.extui %ge3A_118 : i1 to i32
        %cond3A_120 = arith.constant 0 : i32
        %cond3A_121 = arith.cmpi ne, %convert_element_type3A_119, %cond3A_120 : i32
        scf.if %cond3A_121 {
          %sub3A = arith.constant 2 : i32
          %sub3A_143 = arith.subi %scan3A_86, %sub3A : i32
          %rem3A_144 = arith.constant 7 : i32
          %rem3A_145 = arith.remsi %sub3A_143, %rem3A_144 : i32
          %mul3A_146 = arith.constant 16 : i32
          %mul3A_147 = arith.muli %sub3A_143, %mul3A_146 : i32
          %add3A_148 = arith.addi %mul3A_2, %mul3A_147 : i32
          %dma_wait3A_149 = arith.constant 0 : i32
          %dma_wait3A_150 = arith.constant 0 : i32
          %dma_wait3A_151 = tpu.memref_slice %arg6[%rem3A_145, %dma_wait3A_149, %dma_wait3A_150] : memref<7x16x1024xf32, #tpu.memory_space<vmem>> -> memref<1x16x1024xf32, #tpu.memory_space<vmem>>
          %dma_wait3A_152 = tpu.memref_squeeze %dma_wait3A_151 : memref<1x16x1024xf32, #tpu.memory_space<vmem>> -> memref<16x1024xf32, #tpu.memory_space<vmem>>
          %dma_wait3A_153 = arith.constant 0 : i32
          %dma_wait3A_154 = tpu.memref_slice %arg4[%add3A_148, %dma_wait3A_153] : memref<32768x1024xf32, #tpu.memory_space<hbm>> -> memref<16x1024xf32, #tpu.memory_space<hbm>>
          %dma_wait3A_155 = arith.constant 0 : i32
          %dma_wait3A_156 = tpu.memref_slice %arg4[%add3A_148, %dma_wait3A_155] : memref<32768x1024xf32, #tpu.memory_space<hbm>> -> memref<16x1024xf32, #tpu.memory_space<hbm>>
          %dma_wait3A_157 = arith.constant 0 : i32
          %dma_wait3A_158 = arith.constant 0 : i32
          %dma_wait3A_159 = tpu.memref_slice %arg6[%rem3A_145, %dma_wait3A_157, %dma_wait3A_158] : memref<7x16x1024xf32, #tpu.memory_space<vmem>> -> memref<1x16x1024xf32, #tpu.memory_space<vmem>>
          %dma_wait3A_160 = tpu.memref_squeeze %dma_wait3A_159 : memref<1x16x1024xf32, #tpu.memory_space<vmem>> -> memref<16x1024xf32, #tpu.memory_space<vmem>>
          tpu.wait_dma2 semaphore(%arg12 : memref<!tpu.dma_semaphore, #tpu.memory_space<semaphore_mem>>) src(%dma_wait3A_160 : memref<16x1024xf32, #tpu.memory_space<vmem>>) dst(%dma_wait3A_156 : memref<16x1024xf32, #tpu.memory_space<hbm>>)
        } else {
        }
        %lt3A = arith.constant 60 : i32
        %lt3A_122 = arith.cmpi slt, %scan3A_86, %lt3A : i32
        %convert_element_type3A_123 = arith.extui %lt3A_122 : i1 to i32
        %cond3A_124 = arith.constant 0 : i32
        %cond3A_125 = arith.cmpi ne, %convert_element_type3A_123, %cond3A_124 : i32
        scf.if %cond3A_125 {
          %add3A_143 = arith.constant 4 : i32
          %add3A_144 = arith.addi %scan3A_86, %add3A_143 : i32
          %mul3A_145 = arith.constant 16 : i32
          %mul3A_146 = arith.muli %add3A_144, %mul3A_145 : i32
          %rem3A_147 = arith.constant 7 : i32
          %rem3A_148 = arith.remsi %add3A_144, %rem3A_147 : i32
          %dma_start3A_149 = arith.constant 0 : i32
          %dma_start3A_150 = arith.constant 0 : i32
          %dma_start3A_151 = tpu.memref_slice %arg6[%rem3A_148, %dma_start3A_149, %dma_start3A_150] : memref<7x16x1024xf32, #tpu.memory_space<vmem>> -> memref<1x16x1024xf32, #tpu.memory_space<vmem>>
          %dma_start3A_152 = tpu.memref_squeeze %dma_start3A_151 : memref<1x16x1024xf32, #tpu.memory_space<vmem>> -> memref<16x1024xf32, #tpu.memory_space<vmem>>
          %dma_start3A_153 = tpu.memref_slice %arg5[%mul3A_146] : memref<1024xi32, #tpu.memory_space<vmem>> -> memref<16xi32, #tpu.memory_space<vmem>>
          %dma_start3A_154 = arith.constant 0 : i32
          %dma_start3A_155 = arith.constant 0 : i32
          %dma_start3A_156 = tpu.memref_slice %arg3[%dma_start3A_154, %dma_start3A_155] : memref<8192x1024xf32, #tpu.memory_space<hbm>> -> memref<8192x1024xf32, #tpu.memory_space<hbm>>
          tpu.enqueue_indirect_dma source(%dma_start3A_156 : memref<8192x1024xf32, #tpu.memory_space<hbm>>) target(%dma_start3A_152 : memref<16x1024xf32, #tpu.memory_space<vmem>>) offsets(%dma_start3A_153 : memref<16xi32, #tpu.memory_space<vmem>>) semaphore(%arg8 : memref<!tpu.dma_semaphore, #tpu.memory_space<semaphore_mem>>)
        } else {
        }
        %rem3A_126 = arith.constant 7 : i32
        %rem3A_127 = arith.remsi %scan3A_86, %rem3A_126 : i32
        %mul3A_128 = arith.constant 16 : i32
        %mul3A_129 = arith.muli %scan3A_86, %mul3A_128 : i32
        %add3A_130 = arith.addi %mul3A_2, %mul3A_129 : i32
        %dma_start3A_131 = arith.constant 0 : i32
        %dma_start3A_132 = arith.constant 0 : i32
        %dma_start3A_133 = tpu.memref_slice %arg6[%rem3A_127, %dma_start3A_131, %dma_start3A_132] : memref<7x16x1024xf32, #tpu.memory_space<vmem>> -> memref<1x16x1024xf32, #tpu.memory_space<vmem>>
        %dma_start3A_134 = tpu.memref_squeeze %dma_start3A_133 : memref<1x16x1024xf32, #tpu.memory_space<vmem>> -> memref<16x1024xf32, #tpu.memory_space<vmem>>
        %dma_start3A_135 = arith.constant 0 : i32
        %dma_start3A_136 = tpu.memref_slice %arg4[%add3A_130, %dma_start3A_135] : memref<32768x1024xf32, #tpu.memory_space<hbm>> -> memref<16x1024xf32, #tpu.memory_space<hbm>>
        %dma_start3A_137 = arith.constant 0 : i32
        %dma_start3A_138 = tpu.memref_slice %arg4[%add3A_130, %dma_start3A_137] : memref<32768x1024xf32, #tpu.memory_space<hbm>> -> memref<16x1024xf32, #tpu.memory_space<hbm>>
        %dma_start3A_139 = arith.constant 0 : i32
        %dma_start3A_140 = arith.constant 0 : i32
        %dma_start3A_141 = tpu.memref_slice %arg6[%rem3A_127, %dma_start3A_139, %dma_start3A_140] : memref<7x16x1024xf32, #tpu.memory_space<vmem>> -> memref<1x16x1024xf32, #tpu.memory_space<vmem>>
        %dma_start3A_142 = tpu.memref_squeeze %dma_start3A_141 : memref<1x16x1024xf32, #tpu.memory_space<vmem>> -> memref<16x1024xf32, #tpu.memory_space<vmem>>
        tpu.enqueue_dma source(%dma_start3A_142 : memref<16x1024xf32, #tpu.memory_space<vmem>>) target(%dma_start3A_138 : memref<16x1024xf32, #tpu.memory_space<hbm>>) target_semaphore(%arg12 : memref<!tpu.dma_semaphore, #tpu.memory_space<semaphore_mem>>)
      } else {
      }
      %eq3A_96 = arith.constant 2 : i32
      %eq3A_97 = arith.cmpi eq, %rem3A_88, %eq3A_96 : i32
      %convert_element_type3A_98 = arith.extui %eq3A_97 : i1 to i32
      %cond3A_99 = arith.constant 0 : i32
      %cond3A_100 = arith.cmpi ne, %convert_element_type3A_98, %cond3A_99 : i32
      scf.if %cond3A_100 {
        %mul3A_106 = arith.constant 16 : i32
        %mul3A_107 = arith.muli %scan3A_86, %mul3A_106 : i32
        %rem3A_108 = arith.constant 7 : i32
        %rem3A_109 = arith.remsi %scan3A_86, %rem3A_108 : i32
        %dma_wait3A_110 = arith.constant 0 : i32
        %dma_wait3A_111 = arith.constant 0 : i32
        %dma_wait3A_112 = tpu.memref_slice %arg6[%rem3A_109, %dma_wait3A_110, %dma_wait3A_111] : memref<7x16x1024xf32, #tpu.memory_space<vmem>> -> memref<1x16x1024xf32, #tpu.memory_space<vmem>>
        %dma_wait3A_113 = tpu.memref_squeeze %dma_wait3A_112 : memref<1x16x1024xf32, #tpu.memory_space<vmem>> -> memref<16x1024xf32, #tpu.memory_space<vmem>>
        %dma_wait3A_114 = tpu.memref_slice %arg5[%mul3A_107] : memref<1024xi32, #tpu.memory_space<vmem>> -> memref<16xi32, #tpu.memory_space<vmem>>
        %dma_wait3A_115 = arith.constant 0 : i32
        %dma_wait3A_116 = arith.constant 0 : i32
        %dma_wait3A_117 = tpu.memref_slice %arg3[%dma_wait3A_115, %dma_wait3A_116] : memref<8192x1024xf32, #tpu.memory_space<hbm>> -> memref<8192x1024xf32, #tpu.memory_space<hbm>>
        tpu.wait_indirect_dma semaphore(%arg9 : memref<!tpu.dma_semaphore, #tpu.memory_space<semaphore_mem>>) src(%dma_wait3A_117 : memref<8192x1024xf32, #tpu.memory_space<hbm>>) dst(%dma_wait3A_113 : memref<16x1024xf32, #tpu.memory_space<vmem>>)
        %ge3A = arith.constant 2 : i32
        %ge3A_118 = arith.cmpi sge, %scan3A_86, %ge3A : i32
        %convert_element_type3A_119 = arith.extui %ge3A_118 : i1 to i32
        %cond3A_120 = arith.constant 0 : i32
        %cond3A_121 = arith.cmpi ne, %convert_element_type3A_119, %cond3A_120 : i32
        scf.if %cond3A_121 {
          %sub3A = arith.constant 2 : i32
          %sub3A_143 = arith.subi %scan3A_86, %sub3A : i32
          %rem3A_144 = arith.constant 7 : i32
          %rem3A_145 = arith.remsi %sub3A_143, %rem3A_144 : i32
          %mul3A_146 = arith.constant 16 : i32
          %mul3A_147 = arith.muli %sub3A_143, %mul3A_146 : i32
          %add3A_148 = arith.addi %mul3A_2, %mul3A_147 : i32
          %dma_wait3A_149 = arith.constant 0 : i32
          %dma_wait3A_150 = arith.constant 0 : i32
          %dma_wait3A_151 = tpu.memref_slice %arg6[%rem3A_145, %dma_wait3A_149, %dma_wait3A_150] : memref<7x16x1024xf32, #tpu.memory_space<vmem>> -> memref<1x16x1024xf32, #tpu.memory_space<vmem>>
          %dma_wait3A_152 = tpu.memref_squeeze %dma_wait3A_151 : memref<1x16x1024xf32, #tpu.memory_space<vmem>> -> memref<16x1024xf32, #tpu.memory_space<vmem>>
          %dma_wait3A_153 = arith.constant 0 : i32
          %dma_wait3A_154 = tpu.memref_slice %arg4[%add3A_148, %dma_wait3A_153] : memref<32768x1024xf32, #tpu.memory_space<hbm>> -> memref<16x1024xf32, #tpu.memory_space<hbm>>
          %dma_wait3A_155 = arith.constant 0 : i32
          %dma_wait3A_156 = tpu.memref_slice %arg4[%add3A_148, %dma_wait3A_155] : memref<32768x1024xf32, #tpu.memory_space<hbm>> -> memref<16x1024xf32, #tpu.memory_space<hbm>>
          %dma_wait3A_157 = arith.constant 0 : i32
          %dma_wait3A_158 = arith.constant 0 : i32
          %dma_wait3A_159 = tpu.memref_slice %arg6[%rem3A_145, %dma_wait3A_157, %dma_wait3A_158] : memref<7x16x1024xf32, #tpu.memory_space<vmem>> -> memref<1x16x1024xf32, #tpu.memory_space<vmem>>
          %dma_wait3A_160 = tpu.memref_squeeze %dma_wait3A_159 : memref<1x16x1024xf32, #tpu.memory_space<vmem>> -> memref<16x1024xf32, #tpu.memory_space<vmem>>
          tpu.wait_dma2 semaphore(%arg11 : memref<!tpu.dma_semaphore, #tpu.memory_space<semaphore_mem>>) src(%dma_wait3A_160 : memref<16x1024xf32, #tpu.memory_space<vmem>>) dst(%dma_wait3A_156 : memref<16x1024xf32, #tpu.memory_space<hbm>>)
        } else {
        }
        %lt3A = arith.constant 60 : i32
        %lt3A_122 = arith.cmpi slt, %scan3A_86, %lt3A : i32
        %convert_element_type3A_123 = arith.extui %lt3A_122 : i1 to i32
        %cond3A_124 = arith.constant 0 : i32
        %cond3A_125 = arith.cmpi ne, %convert_element_type3A_123, %cond3A_124 : i32
        scf.if %cond3A_125 {
          %add3A_143 = arith.constant 4 : i32
          %add3A_144 = arith.addi %scan3A_86, %add3A_143 : i32
          %mul3A_145 = arith.constant 16 : i32
          %mul3A_146 = arith.muli %add3A_144, %mul3A_145 : i32
          %rem3A_147 = arith.constant 7 : i32
          %rem3A_148 = arith.remsi %add3A_144, %rem3A_147 : i32
          %dma_start3A_149 = arith.constant 0 : i32
          %dma_start3A_150 = arith.constant 0 : i32
          %dma_start3A_151 = tpu.memref_slice %arg6[%rem3A_148, %dma_start3A_149, %dma_start3A_150] : memref<7x16x1024xf32, #tpu.memory_space<vmem>> -> memref<1x16x1024xf32, #tpu.memory_space<vmem>>
          %dma_start3A_152 = tpu.memref_squeeze %dma_start3A_151 : memref<1x16x1024xf32, #tpu.memory_space<vmem>> -> memref<16x1024xf32, #tpu.memory_space<vmem>>
          %dma_start3A_153 = tpu.memref_slice %arg5[%mul3A_146] : memref<1024xi32, #tpu.memory_space<vmem>> -> memref<16xi32, #tpu.memory_space<vmem>>
          %dma_start3A_154 = arith.constant 0 : i32
          %dma_start3A_155 = arith.constant 0 : i32
          %dma_start3A_156 = tpu.memref_slice %arg3[%dma_start3A_154, %dma_start3A_155] : memref<8192x1024xf32, #tpu.memory_space<hbm>> -> memref<8192x1024xf32, #tpu.memory_space<hbm>>
          tpu.enqueue_indirect_dma source(%dma_start3A_156 : memref<8192x1024xf32, #tpu.memory_space<hbm>>) target(%dma_start3A_152 : memref<16x1024xf32, #tpu.memory_space<vmem>>) offsets(%dma_start3A_153 : memref<16xi32, #tpu.memory_space<vmem>>) semaphore(%arg9 : memref<!tpu.dma_semaphore, #tpu.memory_space<semaphore_mem>>)
        } else {
        }
        %rem3A_126 = arith.constant 7 : i32
        %rem3A_127 = arith.remsi %scan3A_86, %rem3A_126 : i32
        %mul3A_128 = arith.constant 16 : i32
        %mul3A_129 = arith.muli %scan3A_86, %mul3A_128 : i32
        %add3A_130 = arith.addi %mul3A_2, %mul3A_129 : i32
        %dma_start3A_131 = arith.constant 0 : i32
        %dma_start3A_132 = arith.constant 0 : i32
        %dma_start3A_133 = tpu.memref_slice %arg6[%rem3A_127, %dma_start3A_131, %dma_start3A_132] : memref<7x16x1024xf32, #tpu.memory_space<vmem>> -> memref<1x16x1024xf32, #tpu.memory_space<vmem>>
        %dma_start3A_134 = tpu.memref_squeeze %dma_start3A_133 : memref<1x16x1024xf32, #tpu.memory_space<vmem>> -> memref<16x1024xf32, #tpu.memory_space<vmem>>
        %dma_start3A_135 = arith.constant 0 : i32
        %dma_start3A_136 = tpu.memref_slice %arg4[%add3A_130, %dma_start3A_135] : memref<32768x1024xf32, #tpu.memory_space<hbm>> -> memref<16x1024xf32, #tpu.memory_space<hbm>>
        %dma_start3A_137 = arith.constant 0 : i32
        %dma_start3A_138 = tpu.memref_slice %arg4[%add3A_130, %dma_start3A_137] : memref<32768x1024xf32, #tpu.memory_space<hbm>> -> memref<16x1024xf32, #tpu.memory_space<hbm>>
        %dma_start3A_139 = arith.constant 0 : i32
        %dma_start3A_140 = arith.constant 0 : i32
        %dma_start3A_141 = tpu.memref_slice %arg6[%rem3A_127, %dma_start3A_139, %dma_start3A_140] : memref<7x16x1024xf32, #tpu.memory_space<vmem>> -> memref<1x16x1024xf32, #tpu.memory_space<vmem>>
        %dma_start3A_142 = tpu.memref_squeeze %dma_start3A_141 : memref<1x16x1024xf32, #tpu.memory_space<vmem>> -> memref<16x1024xf32, #tpu.memory_space<vmem>>
        tpu.enqueue_dma source(%dma_start3A_142 : memref<16x1024xf32, #tpu.memory_space<vmem>>) target(%dma_start3A_138 : memref<16x1024xf32, #tpu.memory_space<hbm>>) target_semaphore(%arg11 : memref<!tpu.dma_semaphore, #tpu.memory_space<semaphore_mem>>)
      } else {
      }
      %eq3A_101 = arith.constant 3 : i32
      %eq3A_102 = arith.cmpi eq, %rem3A_88, %eq3A_101 : i32
      %convert_element_type3A_103 = arith.extui %eq3A_102 : i1 to i32
      %cond3A_104 = arith.constant 0 : i32
      %cond3A_105 = arith.cmpi ne, %convert_element_type3A_103, %cond3A_104 : i32
      scf.if %cond3A_105 {
        %mul3A_106 = arith.constant 16 : i32
        %mul3A_107 = arith.muli %scan3A_86, %mul3A_106 : i32
        %rem3A_108 = arith.constant 7 : i32
        %rem3A_109 = arith.remsi %scan3A_86, %rem3A_108 : i32
        %dma_wait3A_110 = arith.constant 0 : i32
        %dma_wait3A_111 = arith.constant 0 : i32
        %dma_wait3A_112 = tpu.memref_slice %arg6[%rem3A_109, %dma_wait3A_110, %dma_wait3A_111] : memref<7x16x1024xf32, #tpu.memory_space<vmem>> -> memref<1x16x1024xf32, #tpu.memory_space<vmem>>
        %dma_wait3A_113 = tpu.memref_squeeze %dma_wait3A_112 : memref<1x16x1024xf32, #tpu.memory_space<vmem>> -> memref<16x1024xf32, #tpu.memory_space<vmem>>
        %dma_wait3A_114 = tpu.memref_slice %arg5[%mul3A_107] : memref<1024xi32, #tpu.memory_space<vmem>> -> memref<16xi32, #tpu.memory_space<vmem>>
        %dma_wait3A_115 = arith.constant 0 : i32
        %dma_wait3A_116 = arith.constant 0 : i32
        %dma_wait3A_117 = tpu.memref_slice %arg3[%dma_wait3A_115, %dma_wait3A_116] : memref<8192x1024xf32, #tpu.memory_space<hbm>> -> memref<8192x1024xf32, #tpu.memory_space<hbm>>
        tpu.wait_indirect_dma semaphore(%arg10 : memref<!tpu.dma_semaphore, #tpu.memory_space<semaphore_mem>>) src(%dma_wait3A_117 : memref<8192x1024xf32, #tpu.memory_space<hbm>>) dst(%dma_wait3A_113 : memref<16x1024xf32, #tpu.memory_space<vmem>>)
        %ge3A = arith.constant 2 : i32
        %ge3A_118 = arith.cmpi sge, %scan3A_86, %ge3A : i32
        %convert_element_type3A_119 = arith.extui %ge3A_118 : i1 to i32
        %cond3A_120 = arith.constant 0 : i32
        %cond3A_121 = arith.cmpi ne, %convert_element_type3A_119, %cond3A_120 : i32
        scf.if %cond3A_121 {
          %sub3A = arith.constant 2 : i32
          %sub3A_143 = arith.subi %scan3A_86, %sub3A : i32
          %rem3A_144 = arith.constant 7 : i32
          %rem3A_145 = arith.remsi %sub3A_143, %rem3A_144 : i32
          %mul3A_146 = arith.constant 16 : i32
          %mul3A_147 = arith.muli %sub3A_143, %mul3A_146 : i32
          %add3A_148 = arith.addi %mul3A_2, %mul3A_147 : i32
          %dma_wait3A_149 = arith.constant 0 : i32
          %dma_wait3A_150 = arith.constant 0 : i32
          %dma_wait3A_151 = tpu.memref_slice %arg6[%rem3A_145, %dma_wait3A_149, %dma_wait3A_150] : memref<7x16x1024xf32, #tpu.memory_space<vmem>> -> memref<1x16x1024xf32, #tpu.memory_space<vmem>>
          %dma_wait3A_152 = tpu.memref_squeeze %dma_wait3A_151 : memref<1x16x1024xf32, #tpu.memory_space<vmem>> -> memref<16x1024xf32, #tpu.memory_space<vmem>>
          %dma_wait3A_153 = arith.constant 0 : i32
          %dma_wait3A_154 = tpu.memref_slice %arg4[%add3A_148, %dma_wait3A_153] : memref<32768x1024xf32, #tpu.memory_space<hbm>> -> memref<16x1024xf32, #tpu.memory_space<hbm>>
          %dma_wait3A_155 = arith.constant 0 : i32
          %dma_wait3A_156 = tpu.memref_slice %arg4[%add3A_148, %dma_wait3A_155] : memref<32768x1024xf32, #tpu.memory_space<hbm>> -> memref<16x1024xf32, #tpu.memory_space<hbm>>
          %dma_wait3A_157 = arith.constant 0 : i32
          %dma_wait3A_158 = arith.constant 0 : i32
          %dma_wait3A_159 = tpu.memref_slice %arg6[%rem3A_145, %dma_wait3A_157, %dma_wait3A_158] : memref<7x16x1024xf32, #tpu.memory_space<vmem>> -> memref<1x16x1024xf32, #tpu.memory_space<vmem>>
          %dma_wait3A_160 = tpu.memref_squeeze %dma_wait3A_159 : memref<1x16x1024xf32, #tpu.memory_space<vmem>> -> memref<16x1024xf32, #tpu.memory_space<vmem>>
          tpu.wait_dma2 semaphore(%arg12 : memref<!tpu.dma_semaphore, #tpu.memory_space<semaphore_mem>>) src(%dma_wait3A_160 : memref<16x1024xf32, #tpu.memory_space<vmem>>) dst(%dma_wait3A_156 : memref<16x1024xf32, #tpu.memory_space<hbm>>)
        } else {
        }
        %lt3A = arith.constant 60 : i32
        %lt3A_122 = arith.cmpi slt, %scan3A_86, %lt3A : i32
        %convert_element_type3A_123 = arith.extui %lt3A_122 : i1 to i32
        %cond3A_124 = arith.constant 0 : i32
        %cond3A_125 = arith.cmpi ne, %convert_element_type3A_123, %cond3A_124 : i32
        scf.if %cond3A_125 {
          %add3A_143 = arith.constant 4 : i32
          %add3A_144 = arith.addi %scan3A_86, %add3A_143 : i32
          %mul3A_145 = arith.constant 16 : i32
          %mul3A_146 = arith.muli %add3A_144, %mul3A_145 : i32
          %rem3A_147 = arith.constant 7 : i32
          %rem3A_148 = arith.remsi %add3A_144, %rem3A_147 : i32
          %dma_start3A_149 = arith.constant 0 : i32
          %dma_start3A_150 = arith.constant 0 : i32
          %dma_start3A_151 = tpu.memref_slice %arg6[%rem3A_148, %dma_start3A_149, %dma_start3A_150] : memref<7x16x1024xf32, #tpu.memory_space<vmem>> -> memref<1x16x1024xf32, #tpu.memory_space<vmem>>
          %dma_start3A_152 = tpu.memref_squeeze %dma_start3A_151 : memref<1x16x1024xf32, #tpu.memory_space<vmem>> -> memref<16x1024xf32, #tpu.memory_space<vmem>>
          %dma_start3A_153 = tpu.memref_slice %arg5[%mul3A_146] : memref<1024xi32, #tpu.memory_space<vmem>> -> memref<16xi32, #tpu.memory_space<vmem>>
          %dma_start3A_154 = arith.constant 0 : i32
          %dma_start3A_155 = arith.constant 0 : i32
          %dma_start3A_156 = tpu.memref_slice %arg3[%dma_start3A_154, %dma_start3A_155] : memref<8192x1024xf32, #tpu.memory_space<hbm>> -> memref<8192x1024xf32, #tpu.memory_space<hbm>>
          tpu.enqueue_indirect_dma source(%dma_start3A_156 : memref<8192x1024xf32, #tpu.memory_space<hbm>>) target(%dma_start3A_152 : memref<16x1024xf32, #tpu.memory_space<vmem>>) offsets(%dma_start3A_153 : memref<16xi32, #tpu.memory_space<vmem>>) semaphore(%arg10 : memref<!tpu.dma_semaphore, #tpu.memory_space<semaphore_mem>>)
        } else {
        }
        %rem3A_126 = arith.constant 7 : i32
        %rem3A_127 = arith.remsi %scan3A_86, %rem3A_126 : i32
        %mul3A_128 = arith.constant 16 : i32
        %mul3A_129 = arith.muli %scan3A_86, %mul3A_128 : i32
        %add3A_130 = arith.addi %mul3A_2, %mul3A_129 : i32
        %dma_start3A_131 = arith.constant 0 : i32
        %dma_start3A_132 = arith.constant 0 : i32
        %dma_start3A_133 = tpu.memref_slice %arg6[%rem3A_127, %dma_start3A_131, %dma_start3A_132] : memref<7x16x1024xf32, #tpu.memory_space<vmem>> -> memref<1x16x1024xf32, #tpu.memory_space<vmem>>
        %dma_start3A_134 = tpu.memref_squeeze %dma_start3A_133 : memref<1x16x1024xf32, #tpu.memory_space<vmem>> -> memref<16x1024xf32, #tpu.memory_space<vmem>>
        %dma_start3A_135 = arith.constant 0 : i32
        %dma_start3A_136 = tpu.memref_slice %arg4[%add3A_130, %dma_start3A_135] : memref<32768x1024xf32, #tpu.memory_space<hbm>> -> memref<16x1024xf32, #tpu.memory_space<hbm>>
        %dma_start3A_137 = arith.constant 0 : i32
        %dma_start3A_138 = tpu.memref_slice %arg4[%add3A_130, %dma_start3A_137] : memref<32768x1024xf32, #tpu.memory_space<hbm>> -> memref<16x1024xf32, #tpu.memory_space<hbm>>
        %dma_start3A_139 = arith.constant 0 : i32
        %dma_start3A_140 = arith.constant 0 : i32
        %dma_start3A_141 = tpu.memref_slice %arg6[%rem3A_127, %dma_start3A_139, %dma_start3A_140] : memref<7x16x1024xf32, #tpu.memory_space<vmem>> -> memref<1x16x1024xf32, #tpu.memory_space<vmem>>
        %dma_start3A_142 = tpu.memref_squeeze %dma_start3A_141 : memref<1x16x1024xf32, #tpu.memory_space<vmem>> -> memref<16x1024xf32, #tpu.memory_space<vmem>>
        tpu.enqueue_dma source(%dma_start3A_142 : memref<16x1024xf32, #tpu.memory_space<vmem>>) target(%dma_start3A_138 : memref<16x1024xf32, #tpu.memory_space<hbm>>) target_semaphore(%arg12 : memref<!tpu.dma_semaphore, #tpu.memory_space<semaphore_mem>>)
      } else {
      }
    }
    %scan3A_52 = arith.constant 64 : i32
    %rem3A_53 = arith.constant 62 : i32
    %rem3A_54 = arith.constant 7 : i32
    %rem3A_55 = arith.remsi %rem3A_53, %rem3A_54 : i32
    %add3A_56 = arith.constant 992 : i32
    %add3A_57 = arith.addi %mul3A_2, %add3A_56 : i32
    %dma_wait3A = arith.constant 0 : i32
    %dma_wait3A_58 = arith.constant 0 : i32
    %dma_wait3A_59 = tpu.memref_slice %arg6[%rem3A_55, %dma_wait3A, %dma_wait3A_58] : memref<7x16x1024xf32, #tpu.memory_space<vmem>> -> memref<1x16x1024xf32, #tpu.memory_space<vmem>>
    %dma_wait3A_60 = tpu.memref_squeeze %dma_wait3A_59 : memref<1x16x1024xf32, #tpu.memory_space<vmem>> -> memref<16x1024xf32, #tpu.memory_space<vmem>>
    %dma_wait3A_61 = arith.constant 0 : i32
    %dma_wait3A_62 = tpu.memref_slice %arg4[%add3A_57, %dma_wait3A_61] : memref<32768x1024xf32, #tpu.memory_space<hbm>> -> memref<16x1024xf32, #tpu.memory_space<hbm>>
    %dma_wait3A_63 = arith.constant 0 : i32
    %dma_wait3A_64 = tpu.memref_slice %arg4[%add3A_57, %dma_wait3A_63] : memref<32768x1024xf32, #tpu.memory_space<hbm>> -> memref<16x1024xf32, #tpu.memory_space<hbm>>
    %dma_wait3A_65 = arith.constant 0 : i32
    %dma_wait3A_66 = arith.constant 0 : i32
    %dma_wait3A_67 = tpu.memref_slice %arg6[%rem3A_55, %dma_wait3A_65, %dma_wait3A_66] : memref<7x16x1024xf32, #tpu.memory_space<vmem>> -> memref<1x16x1024xf32, #tpu.memory_space<vmem>>
    %dma_wait3A_68 = tpu.memref_squeeze %dma_wait3A_67 : memref<1x16x1024xf32, #tpu.memory_space<vmem>> -> memref<16x1024xf32, #tpu.memory_space<vmem>>
    tpu.wait_dma2 semaphore(%arg11 : memref<!tpu.dma_semaphore, #tpu.memory_space<semaphore_mem>>) src(%dma_wait3A_68 : memref<16x1024xf32, #tpu.memory_space<vmem>>) dst(%dma_wait3A_64 : memref<16x1024xf32, #tpu.memory_space<hbm>>)
    %rem3A_69 = arith.constant 63 : i32
    %rem3A_70 = arith.constant 7 : i32
    %rem3A_71 = arith.remsi %rem3A_69, %rem3A_70 : i32
    %add3A_72 = arith.constant 1008 : i32
    %add3A_73 = arith.addi %mul3A_2, %add3A_72 : i32
    %dma_wait3A_74 = arith.constant 0 : i32
    %dma_wait3A_75 = arith.constant 0 : i32
    %dma_wait3A_76 = tpu.memref_slice %arg6[%rem3A_71, %dma_wait3A_74, %dma_wait3A_75] : memref<7x16x1024xf32, #tpu.memory_space<vmem>> -> memref<1x16x1024xf32, #tpu.memory_space<vmem>>
    %dma_wait3A_77 = tpu.memref_squeeze %dma_wait3A_76 : memref<1x16x1024xf32, #tpu.memory_space<vmem>> -> memref<16x1024xf32, #tpu.memory_space<vmem>>
    %dma_wait3A_78 = arith.constant 0 : i32
    %dma_wait3A_79 = tpu.memref_slice %arg4[%add3A_73, %dma_wait3A_78] : memref<32768x1024xf32, #tpu.memory_space<hbm>> -> memref<16x1024xf32, #tpu.memory_space<hbm>>
    %dma_wait3A_80 = arith.constant 0 : i32
    %dma_wait3A_81 = tpu.memref_slice %arg4[%add3A_73, %dma_wait3A_80] : memref<32768x1024xf32, #tpu.memory_space<hbm>> -> memref<16x1024xf32, #tpu.memory_space<hbm>>
    %dma_wait3A_82 = arith.constant 0 : i32
    %dma_wait3A_83 = arith.constant 0 : i32
    %dma_wait3A_84 = tpu.memref_slice %arg6[%rem3A_71, %dma_wait3A_82, %dma_wait3A_83] : memref<7x16x1024xf32, #tpu.memory_space<vmem>> -> memref<1x16x1024xf32, #tpu.memory_space<vmem>>
    %dma_wait3A_85 = tpu.memref_squeeze %dma_wait3A_84 : memref<1x16x1024xf32, #tpu.memory_space<vmem>> -> memref<16x1024xf32, #tpu.memory_space<vmem>>
    tpu.wait_dma2 semaphore(%arg12 : memref<!tpu.dma_semaphore, #tpu.memory_space<semaphore_mem>>) src(%dma_wait3A_85 : memref<16x1024xf32, #tpu.memory_space<vmem>>) dst(%dma_wait3A_81 : memref<16x1024xf32, #tpu.memory_space<hbm>>)
    return
  }
}

</mosaic_0001>

<sc_bundles>
// kernel: kernel.3.cloned.1.call-start
scs
__scs_entry_jumppad:
0x0: {  	(pc) =	sbr.rel $0x88, $3  }
0x1: {  	(tag) =	ssettag $0x0;
	lr =	simm.s32 $0x1  }
0x2: {  	[smem:$0x3F9F] =	sst lr;
	_ =	strace $0xD0000000  }
0x3: {  	_ = 	snop  }
0x4: {  	_ = 	snop  }
0x5: {  	_ = 	snop  }
0x6: {  	_ = 	snop  }
0x7: {  	_ = 	snop  }
__scs_overlays_trampoline_lowered:
0x8: {  	[smem:$0x3FAE] =	sst s0  }
0x9: {  	[smem:$0x3FAF] =	sst s1  }
0xa: {  	[smem:$0x3FB0] =	sst s2  }
0xb: {  	[smem:$0x3FB1] =	sst s3  }
0xc: {  	[smem:$0x3FB2] =	sst s4  }
0xd: {  	[smem:$0x3FB3] =	sst s5  }
0xe: {  	[smem:$0x3FB4] =	sst s6  }
0xf: {  	[smem:$0x3FB5] =	sst s7  }
0x10: {  	[smem:$0x3FB6] =	sst s8  }
0x11: {  	[smem:$0x3FB7] =	sst s9;
	s0 =	simm.s32 @!p0 $0x0  }
0x12: {  	s1 =	sld [smem:$0x3F9D];
	s0 =	simm.s32 @p0 $0x1  }
0x13: {  	[smem:$0x3FB8] =	sst s0;
	s0 =	simm.s32 @!p1 $0x0  }
0x14: {  	s2 =	sld [smem:$0x3F9C];
	s0 =	simm.s32 @p1 $0x1  }
0x15: {  	[smem:$0x3FB9] =	sst s0;
	s0 =	simm.s32 @!p2 $0x0  }
0x16: {  	s3 =	sld [smem:$0x3FDB];
	s0 =	simm.s32 @p2 $0x1  }
0x17: {  	s4 =	simm.s32 $0x1BF5;
	[smem:$0x3FBB] =	sst s0  }
0x18: {  	s0 =	sld [smem:$0x3F9E];
	_ =	swait.ge [sflag:s4], $0x0  }
0x19: {  	s7 =	sld [smem:$0x3F9F]  }
0x1a: {  	s8 =	sadd.s32 $0xFFFFE003, lr  }
0x1b: {  	s9 =	sadd.s32 $0xFFFFFEF7, lr;
	s5 =	simm.s32 $0xFFFFFFFF;
	p2 =	slt.u32 s8, $0xFFFFF086  }
0x1c: {  	p1 =	slt.u32 s9, $0xF7A;
	s5 =	simm.s32 @!p2 $0x0  }
0x1d: {  	s5 =	simm.s32 @p1 $0x1;
	p0 =	seq.s32 s7, s2  }
0x1e: {  	s7 =	smul.u32 @!p0 $0xF7A, s2;
	p2 =	seq.s32 @!p0 s5, $0x0  }
0x1f: {  	s9 =	smul.u32 $0xF7A, s1;
	s8 =	simm.s32 @!p0 $0x1BF5;
	p2 =	por !p2, p0  }
0x20: {  	[sflag:s8] =	ssyncset.s32 @!p0 $0xFFFFF086;
	s6 =	sadd.s32 @!p0 s3, s7;
	s7 =	simm.s32 @!p0 $0x108  }
0x21: {  	s3 =	sadd.s32 s3, s9;
	s6 =	sadd.s32 @!p0 $0x88, s6;
	s7 =	simm.s32 @p2 $0x1082  }
0x22: {  	[simem:s7], [sflag:s8] =	dma.local @!p0 [hbm:s6], $0xF7A  }
0x23: {  	s9 =	sor.u32 $0xD0000000, s2;
	s6 =	simm.s32 $0x108;
	_ =	swait.ge @!p0 [sflag:s8], $0x0  }
0x24: {  	s3 =	sadd.s32 $0x88, s3;
	s6 =	simm.s32 @!p1 $0x1082;
	[sflag:s4] =	ssyncset.s32 $0xFFFFF086  }
0x25: {  	[simem:s6], [sflag:s4] =	dma.local [hbm:s3], $0xF7A  }
0x26: {  	[smem:$0x3F9F] =	sst s1;
	(tag) =	ssettag s2;
	_ =	strace s9  }
0x27: {  	s1 =	sld [smem:$0x3FAF]  }
0x28: {  	s2 =	sld [smem:$0x3FB0]  }
0x29: {  	s4 =	sld [smem:$0x3FB2]  }
0x2a: {  	p0 =	seq.s32 s5, $0x0;
	s5 =	sld [smem:$0x3FB3]  }
0x2b: {  	s6 =	sld [smem:$0x3FB4]  }
0x2c: {  	s7 =	sld [smem:$0x3FB5]  }
0x2d: {  	s3 =	simm.s32 $0x108;
	s8 =	sld [smem:$0x3FB6]  }
0x2e: {  	s3 =	simm.s32 @!p0 $0x1082;
	s9 =	sld [smem:$0x3FB7]  }
0x2f: {  	lr =	sadd.s32 s0, s3;
	s0 =	sld [smem:$0x3FAE]  }
0x30: {  	s3 =	sld [smem:$0x3FB1]  }
0x31: {  	[smem:$0x3FBA] =	sst s10  }
0x32: {  	s10 =	sld [smem:$0x3FB8];
	_ =	sdelay $0x3  }
0x33: {  	p0 =	seq.s32 s10, $0x1;
	s10 =	sld [smem:$0x3FBA];
	_ =	sdelay $0x3  }
0x34: {  	[smem:$0x3FBA] =	sst s10  }
0x35: {  	s10 =	sld [smem:$0x3FB9];
	_ =	sdelay $0x3  }
0x36: {  	p1 =	seq.s32 s10, $0x1;
	s10 =	sld [smem:$0x3FBA];
	_ =	sdelay $0x3  }
0x37: {  	[smem:$0x3FBA] =	sst s10  }
0x38: {  	s10 =	sld [smem:$0x3FBB]  }
0x39: {  	_ = 	snop;
	(pc) =	sbr.ind lr, $3  }
0x3a: {  	_ = 	snop  }
0x3b: {  	_ = 	snop  }
0x3c: {  	p2 =	seq.s32 s10, $0x1;
	s10 =	sld [smem:$0x3FBA]  }
0x3d: {  	_ =	shalt  }
0x3e: {  	_ =	shalt  }
0x3f: {  	_ =	shalt  }
0x40: {  	_ =	shalt  }
0x41: {  	_ =	shalt  }
0x42: {  	_ =	shalt  }
0x43: {  	_ =	shalt  }
0x44: {  	_ =	shalt  }
0x45: {  	_ =	shalt  }
0x46: {  	_ =	shalt  }
0x47: {  	_ =	shalt  }
0x48: {  	_ =	shalt  }
0x49: {  	_ =	shalt  }
0x4a: {  	_ =	shalt  }
0x4b: {  	_ =	shalt  }
0x4c: {  	_ =	shalt  }
0x4d: {  	_ =	shalt  }
0x4e: {  	_ =	shalt  }
0x4f: {  	_ =	shalt  }
0x50: {  	_ =	shalt  }
0x51: {  	_ =	shalt  }
0x52: {  	_ =	shalt  }
0x53: {  	_ =	shalt  }
0x54: {  	_ =	shalt  }
0x55: {  	_ =	shalt  }
0x56: {  	_ =	shalt  }
0x57: {  	_ =	shalt  }
0x58: {  	_ =	shalt  }
0x59: {  	_ =	shalt  }
0x5a: {  	_ =	shalt  }
0x5b: {  	_ =	shalt  }
0x5c: {  	_ =	shalt  }
0x5d: {  	_ =	shalt  }
0x5e: {  	_ =	shalt  }
0x5f: {  	_ =	shalt  }
0x60: {  	_ =	shalt  }
0x61: {  	_ =	shalt  }
0x62: {  	_ =	shalt  }
0x63: {  	_ =	shalt  }
0x64: {  	_ =	shalt  }
0x65: {  	_ =	shalt  }
0x66: {  	_ =	shalt  }
0x67: {  	_ =	shalt  }
0x68: {  	_ =	shalt  }
0x69: {  	_ =	shalt  }
0x6a: {  	_ =	shalt  }
0x6b: {  	_ =	shalt  }
0x6c: {  	_ =	shalt  }
0x6d: {  	_ =	shalt  }
0x6e: {  	_ =	shalt  }
0x6f: {  	_ =	shalt  }
0x70: {  	_ =	shalt  }
0x71: {  	_ =	shalt  }
0x72: {  	_ =	shalt  }
0x73: {  	_ =	shalt  }
0x74: {  	_ =	shalt  }
0x75: {  	_ =	shalt  }
0x76: {  	_ =	shalt  }
0x77: {  	_ =	shalt  }
0x78: {  	_ =	shalt  }
0x79: {  	_ =	shalt  }
0x7a: {  	_ =	shalt  }
0x7b: {  	_ =	shalt  }
0x7c: {  	_ =	shalt  }
0x7d: {  	_ =	shalt  }
0x7e: {  	_ =	shalt  }
0x7f: {  	_ =	shalt  }
0x80: {  	_ =	shalt  }
0x81: {  	_ =	shalt  }
0x82: {  	_ =	shalt  }
0x83: {  	_ =	shalt  }
0x84: {  	_ =	shalt  }
0x85: {  	_ =	shalt  }
0x86: {  	_ =	shalt  }
0x87: {  	_ =	shalt  }
.Lfunc_end0:
.L_simem_size_0:
called_computation_lowered:
.L_overlay_start_0:
0x88: {  	s2 =	sld [smem:$0x3FD9]  }
0x89: {  	s3 =	sld [smem:$0x3FFE];
	_ =	sdelay $0x1  }
0x8a: {  	s1 =	srdreg.scid  }
0x8b: {  	s0 =	sand.u32 $0x1, s1  }
0x8c: {  	s17 =	sshll.u32 s0, $0xA;
	s2 =	sadd.s32 s3, s2  }
0x8d: {  	s2 =	sadd.s32 s2, s17  }
0x8e: {  	[smem:$0x3FC6] =	sst s2  }
0x8f: {  	_ = 	snop  }
0x90: {  	s2 =	sld [smem:$0x3FC8]  }
0x91: {  	s18 =	sld [smem:$0x3FD0];
	(tm) =	ssettm $0x1  }
0x92: {  	s4 =	sld [smem:$0x3FFB];
	_ =	sdelay $0x3  }
0x93: {  	_ =	strace s4  }
0x94: {  	s4 =	sld [smem:$0x3FFC];
	_ =	sdelay $0x3  }
0x95: {  	_ =	strace s4  }
0x96: {  	s4 =	sld [smem:$0x3FFD];
	_ =	sdelay $0x3  }
0x97: {  	_ =	strace s4  }
0x98: {  	_ =	strace $0x8FFFFFFF  }
0x99: {  	s19 =	sld [smem:$0x3FDB];
	_ =	sdelay $0x1  }
0x9a: {  	s5 =	simm.s32 $_scs_section_size  }
0x9b: {  	s6 =	simm.s32 $_size__tile_overlayer_lowered;
	s7 =	simm.s32 $_tile_overlayer_lowered  }
0x9c: {  	s22 =	simm.s32 $0x1BFF;
	s21 =	sshll.u32 s7, $0x1;
	s4 =	sadd.s32 s5, s19  }
0x9d: {  	s8 =	simm.s32 $0x0;
	s20 =	sshll.u32 s6, $0x1;
	s6 =	sadd.s32 s21, s4  }
0x9e: {  	[timem:s8], [sflag:s22] =	dma.local [hbm:s6], s20  }
0x9f: {  	_ =	swait.ge [sflag:s22], s20  }
0xa0: {  	s5 =	ssub.s32 $0x0, s20;
	[sflag:s22] =	ssyncset.done $0x0  }
0xa1: {  	[sflag:s22] =	ssyncadd.s32 s5;
	_ =	sdelay $0x1  }
0xa2: {  	s23 =	simm.s32 $0x1B8B  }
0xa3: {  	_ =	swait.ge [sflag:s23], $0x1  }
0xa4: {  	[sflag:s23] =	ssyncset.done $0x0  }
0xa5: {  	s25 =	simm.s32 $0x1B8E;
	s24 =	sld [smem:$0x3FFE];
	[sflag:s23] =	ssyncadd.s32 $0xFFFFFFFF  }
0xa6: {  	s26 =	simm.s32 $execute0_lowered;
	[smem:$0x3FD2] =	sst s25  }
0xa7: {  	s6 =	sshll.u32 s26, $0x1;
	_ =	strace $0x80000046;
	[dreg:$0x1] =	wrdreg $0xFFFFFFFF  }
0xa8: {  	s28 =	simm.s32 $_size_execute0_lowered;
	s4 =	sadd.s32 s4, s6;
	[dreg:$0x0] =	wrdreg $0x0  }
0xa9: {  	s6 =	sshll.u32 s28, $0x1;
	[dreg:$0x2] =	wrdreg s4  }
0xaa: {  	[dreg:$0x3] =	wrdreg s6  }
0xab: {  	[dreg:$0x4] =	wrdreg $0xC0  }
0xac: {  	_ =	task [dreg:s8], $0x5FFFF  }
0xad: {  	[dreg:$0x1] =	wrdreg $0xFFFFFFFF  }
0xae: {  	[dreg:$0x0] =	wrdreg $0x60  }
0xaf: {  	[dreg:$0x2] =	wrdreg s24  }
0xb0: {  	[dreg:$0x3] =	wrdreg s2  }
0xb1: {  	[dreg:$0x4] =	wrdreg s18  }
0xb2: {  	[dreg:$0x5] =	wrdreg $0x9  }
0xb3: {  	_ =	task.clear_ibuf [dreg:s8], $0x6FFFF;
	_ =	strace $0x90000046  }
0xb4: {  	s29 =	simm.s32 $0x9;
	_ =	strace $0x80000048  }
0xb5: {  	_ =	swait.ge [sflag:s29], $0x1  }
0xb6: {  	[sflag:s29] =	ssyncadd.s32 $0xFFFFFFFF  }
0xb7: {  	_ =	strace $0x90000048  }
0xb8: {  	_ =	sfence  }
0xb9: {  	s30 =	sld [smem:$0x0];
	_ =	sdelay $0x2  }
0xba: {  	s31 =	sshll.u32 s1, $0xD;
	s1 =	sshrl.u32 s1, $0x2  }
0xbb: {  	s3 =	sand.u32 $0x4000, s31;
	s1 =	sadd.s32 s1, s30  }
0xbc: {  	s0 =	sor.u32 s3, s0;
	s1 =	sshll.u32 s1, $0x11  }
0xbd: {  	s0 =	sor.u32 s1, s0  }
0xbe: {  	s0 =	sadd.s32 $0x8F2B, s0  }
0xbf: {  	[sflag:s0] =	ssyncadd.remote.s32 $0x1  }
0xc0: {  	_ =	sfence.sel $0xFFFF  }
0xc1: {  	[dreg:$0x0] =	wrdreg $0xFFFFFFFF;
	(pc) =	sbr.abs _section_cstart, $3  }
0xc2: {  	[dreg:$0x1] =	wrdreg $0xFFFFFFFF  }
0xc3: {  	_ =	task.clear_ibuf [dreg:s8], $0x2FFFF;
	_ =	strace $0x9FFFFFFF  }
0xc4: {  	(tm) =	ssettm $0x7FFFFFFF  }
0xc5: {  	_ =	shalt  }
tec
execute0_lowered:
.L_overlay_start_1:
0x0: {  	(tag) =	ssettag $0x1  }
0x1: {  	s0 =	rddreg [dreg:$0x0]  }
0x2: {  	s1 =	srdreg.scid;
	s2 =	rddreg [dreg:$0x1]  }
0x3: {  	s7 =	stileid.u32;
	s8 =	rddreg [dreg:$0x2];
	s10 =	simm.s32 $0x7  }
0x4: {  	s14 =	simm.s32 $0xCC00;
	s15 =	simm.s32 $0xD400;
	s16 =	simm.s32 $0xDC00  }
0x5: {  	s17 =	simm.s32 $0xE400;
	s18 =	simm.s32 $0xEC00;
	s19 =	simm.s32 $0xF400  }
0x6: {  	s20 =	simm.s32 $0xFC00;
	s21 =	simm.s32 $0x1;
	s22 =	simm.s32 $0x5  }
0x7: {  	s23 =	simm.s32 $0x2;
	s24 =	simm.s32 $0x6;
	s25 =	simm.s32 $0x3  }
0x8: {  	s26 =	simm.s32 $0x4;
	s28 =	simm.s32 $0x0;
	s1 =	sand.u32 $0x1, s1  }
0x9: {  	s3 =	sshll.u32 s7, $0xB;
	s6 =	sadd.s32 $0x200, s2;
	s31 =	sshll.u32 s7, $0x12  }
0xa: {  	s7 =	sadd.s32 $0x300, s2;
	s4 =	sshll.u32 s1, $0xA;
	s5 =	ssub.s32 $0x2, s1  }
.Ltmp0:
0xb: {  	s1 =	sshll.u32 s1, $0x11;
	s4 =	sor.u32 s4, s3;
	(pc) =	sbr.rel .LBB2_1-.Ltmp0, $4  }
0xc: {  	s3 =	simm.s32 $0x0;
	s29 =	sshrl.u32 s5, $0x1;
	s4 =	sshrl.u32 s4, $0x3  }
0xd: {  	v2 =	vlaneseq.u32;
	[smem:$0x7FF] =	sst s3;
	s9 =	ssub.s32 s5, s29;
	s0 =	sadd.s32 s4, s0  }
0xe: {  	vm0 =	vmmov $0xffff;
	v1 =	vshrl.u32 v2, $0x3;
	s5 =	sadd.s32 $0x100, s2;
	s4 =	sadd.s32 $0x400, s0;
	s0 =	sadd.s32 s31, s8  }
0xf: {  	v0 =	vand.u32 $0x7, v2;
	v2 =	vor.u32 $0x8, v2;
	v1 =	vmul.u32 $0x8, v1;
	_ =	strace $0x80000047;
	s8 =	smax.u32 s9, $0x1;
	s30 =	sadd.s32 s1, s0  }
.LBB2_15:
0x10: {  	s28 =	sadd.s32 $0x1, s28  }
0x11: {  	_ =	swait.ge [sflag:s22], $0x4000;
	p0 =	sne.s32 s28, s8  }
.Ltmp1:
0x12: {  	[sflag:s22] =	ssyncset.done $0x0;
	(pc) =	sbr.rel @!p0 .LBB2_16-.Ltmp1, $4  }
0x13: {  	[sflag:s22] =	ssyncadd.s32 $0xFFFFC000  }
0x14: {  	_ =	swait.ge [sflag:s24], $0x4000  }
0x15: {  	[sflag:s24] =	ssyncset.done $0x0  }
0x16: {  	[sflag:s24] =	ssyncadd.s32 $0xFFFFC000  }
.LBB2_1:
0x17: {  	[tilespmem:s3], [sflag:$0x7] =	stream.linear.gather [hbm4b:s4+s3], $0x400, $0x38;
	[tilespmem:$0x1C400] =	vst v63  }
0x18: {  	_ =	swait.ge [sflag:s10], $0x400  }
0x19: {  	[sflag:s10] =	ssyncset.done $0x0  }
0x1a: {  	[sflag:s10] =	ssyncadd.s32 $0xFFFFFC00  }
0x1b: {  	v3 =	vld [tilespmem:$0x0];
	_ =	sdelay $0x4  }
0x1c: {  	v4 =	vshll.u32 v3, $0x3  }
0x1d: {  	v3 =	vand.u32 $0x7, v3;
	v4 =	vand.u32 $0xFFFFFFC0, v4  }
0x1e: {  	v3 =	vor.u32 v3, v4  }
0x1f: {  	v4 =	vperm.xlane v3, v0;
	_ =	sdelay $0x1  }
0x20: {  	v4 =	vadd.s32 v1, v4;
	_ =	sdelay $0x3  }
0x21: {  	s0 =	simm.s32 $0x400  }
0x22: {  	[tilespmem:s0], [sflag:$0x1] =	stream.indirect_vreg.gather [hbm4b:s2+s3], $0x80, v4, vm0, $0xb8;
	[tilespmem:$0x1C400] =	vst v63  }
0x23: {  	s9 =	simm.s32 $0xC00;
	v3 =	vperm.xlane v3, v2  }
0x24: {  	[tilespmem:s9], [sflag:$0x1] =	stream.indirect_vreg.gather [hbm4b:s5+s3], $0x80, v4, vm0, $0xb8;
	[tilespmem:$0x1C400] =	vst v63  }
0x25: {  	s11 =	simm.s32 $0x1400;
	v3 =	vadd.s32 v1, v3  }
0x26: {  	[tilespmem:s11], [sflag:$0x1] =	stream.indirect_vreg.gather [hbm4b:s6+s3], $0x80, v4, vm0, $0xb8;
	[tilespmem:$0x1C400] =	vst v63  }
0x27: {  	s12 =	simm.s32 $0x1C00  }
0x28: {  	[tilespmem:s12], [sflag:$0x1] =	stream.indirect_vreg.gather [hbm4b:s7+s3], $0x80, v4, vm0, $0xb8;
	[tilespmem:$0x1C400] =	vst v63  }
0x29: {  	s13 =	simm.s32 $0x2400  }
0x2a: {  	[tilespmem:s13], [sflag:$0x1] =	stream.indirect_vreg.gather [hbm4b:s2+s3], $0x80, v3, vm0, $0xb8;
	[tilespmem:$0x1C400] =	vst v63  }
0x2b: {  	s1 =	simm.s32 $0x2C00  }
0x2c: {  	[tilespmem:s1], [sflag:$0x1] =	stream.indirect_vreg.gather [hbm4b:s5+s3], $0x80, v3, vm0, $0xb8;
	[tilespmem:$0x1C400] =	vst v63  }
0x2d: {  	s9 =	simm.s32 $0x3400  }
0x2e: {  	[tilespmem:s9], [sflag:$0x1] =	stream.indirect_vreg.gather [hbm4b:s6+s3], $0x80, v3, vm0, $0xb8;
	[tilespmem:$0x1C400] =	vst v63  }
0x2f: {  	s11 =	simm.s32 $0x3C00  }
0x30: {  	[tilespmem:s11], [sflag:$0x1] =	stream.indirect_vreg.gather [hbm4b:s7+s3], $0x80, v3, vm0, $0xb8;
	[tilespmem:$0x1C400] =	vst v63  }
0x31: {  	v3 =	vld [tilespmem:$0x10];
	_ =	sdelay $0x4  }
0x32: {  	v61 =	vshll.u32 v3, $0x3  }
0x33: {  	v3 =	vand.u32 $0x7, v3;
	v4 =	vand.u32 $0xFFFFFFC0, v61  }
0x34: {  	v3 =	vor.u32 v3, v4  }
0x35: {  	v4 =	vperm.xlane v3, v0;
	_ =	sdelay $0x1  }
0x36: {  	v4 =	vadd.s32 v1, v4;
	_ =	sdelay $0x3  }
0x37: {  	s12 =	simm.s32 $0x4400  }
0x38: {  	[tilespmem:s12], [sflag:$0x2] =	stream.indirect_vreg.gather [hbm4b:s2+s3], $0x80, v4, vm0, $0xb8;
	[tilespmem:$0x1C400] =	vst v63  }
0x39: {  	s13 =	simm.s32 $0x4C00;
	v3 =	vperm.xlane v3, v2  }
0x3a: {  	[tilespmem:s13], [sflag:$0x2] =	stream.indirect_vreg.gather [hbm4b:s5+s3], $0x80, v4, vm0, $0xb8;
	[tilespmem:$0x1C400] =	vst v63  }
0x3b: {  	s1 =	simm.s32 $0x5400;
	v3 =	vadd.s32 v1, v3  }
0x3c: {  	[tilespmem:s1], [sflag:$0x2] =	stream.indirect_vreg.gather [hbm4b:s6+s3], $0x80, v4, vm0, $0xb8;
	[tilespmem:$0x1C400] =	vst v63  }
0x3d: {  	s9 =	simm.s32 $0x5C00  }
0x3e: {  	[tilespmem:s9], [sflag:$0x2] =	stream.indirect_vreg.gather [hbm4b:s7+s3], $0x80, v4, vm0, $0xb8;
	[tilespmem:$0x1C400] =	vst v63  }
0x3f: {  	s11 =	simm.s32 $0x6400  }
0x40: {  	[tilespmem:s11], [sflag:$0x2] =	stream.indirect_vreg.gather [hbm4b:s2+s3], $0x80, v3, vm0, $0xb8;
	[tilespmem:$0x1C400] =	vst v63  }
0x41: {  	s12 =	simm.s32 $0x6C00  }
0x42: {  	[tilespmem:s12], [sflag:$0x2] =	stream.indirect_vreg.gather [hbm4b:s5+s3], $0x80, v3, vm0, $0xb8;
	[tilespmem:$0x1C400] =	vst v63  }
0x43: {  	s13 =	simm.s32 $0x7400  }
0x44: {  	[tilespmem:s13], [sflag:$0x2] =	stream.indirect_vreg.gather [hbm4b:s6+s3], $0x80, v3, vm0, $0xb8;
	[tilespmem:$0x1C400] =	vst v63  }
0x45: {  	s1 =	simm.s32 $0x7C00  }
0x46: {  	[tilespmem:s1], [sflag:$0x2] =	stream.indirect_vreg.gather [hbm4b:s7+s3], $0x80, v3, vm0, $0xb8;
	[tilespmem:$0x1C400] =	vst v63  }
0x47: {  	v3 =	vld [tilespmem:$0x20];
	_ =	sdelay $0x4  }
0x48: {  	v62 =	vshll.u32 v3, $0x3  }
0x49: {  	v3 =	vand.u32 $0x7, v3;
	v4 =	vand.u32 $0xFFFFFFC0, v62  }
0x4a: {  	v3 =	vor.u32 v3, v4  }
0x4b: {  	v4 =	vperm.xlane v3, v0;
	_ =	sdelay $0x1  }
0x4c: {  	v4 =	vadd.s32 v1, v4;
	_ =	sdelay $0x3  }
0x4d: {  	s9 =	simm.s32 $0x8400  }
0x4e: {  	[tilespmem:s9], [sflag:$0x3] =	stream.indirect_vreg.gather [hbm4b:s2+s3], $0x80, v4, vm0, $0xb8;
	[tilespmem:$0x1C400] =	vst v63  }
0x4f: {  	s11 =	simm.s32 $0x8C00;
	v3 =	vperm.xlane v3, v2  }
0x50: {  	[tilespmem:s11], [sflag:$0x3] =	stream.indirect_vreg.gather [hbm4b:s5+s3], $0x80, v4, vm0, $0xb8;
	[tilespmem:$0x1C400] =	vst v63  }
0x51: {  	s12 =	simm.s32 $0x9400;
	v3 =	vadd.s32 v1, v3  }
0x52: {  	[tilespmem:s12], [sflag:$0x3] =	stream.indirect_vreg.gather [hbm4b:s6+s3], $0x80, v4, vm0, $0xb8;
	[tilespmem:$0x1C400] =	vst v63  }
0x53: {  	s13 =	simm.s32 $0x9C00  }
0x54: {  	[tilespmem:s13], [sflag:$0x3] =	stream.indirect_vreg.gather [hbm4b:s7+s3], $0x80, v4, vm0, $0xb8;
	[tilespmem:$0x1C400] =	vst v63  }
0x55: {  	s1 =	simm.s32 $0xA400  }
0x56: {  	[tilespmem:s1], [sflag:$0x3] =	stream.indirect_vreg.gather [hbm4b:s2+s3], $0x80, v3, vm0, $0xb8;
	[tilespmem:$0x1C400] =	vst v63  }
0x57: {  	s9 =	simm.s32 $0xAC00  }
0x58: {  	[tilespmem:s9], [sflag:$0x3] =	stream.indirect_vreg.gather [hbm4b:s5+s3], $0x80, v3, vm0, $0xb8;
	[tilespmem:$0x1C400] =	vst v63  }
0x59: {  	s11 =	simm.s32 $0xB400  }
0x5a: {  	[tilespmem:s11], [sflag:$0x3] =	stream.indirect_vreg.gather [hbm4b:s6+s3], $0x80, v3, vm0, $0xb8;
	[tilespmem:$0x1C400] =	vst v63  }
0x5b: {  	s12 =	simm.s32 $0xBC00  }
0x5c: {  	[tilespmem:s12], [sflag:$0x3] =	stream.indirect_vreg.gather [hbm4b:s7+s3], $0x80, v3, vm0, $0xb8;
	[tilespmem:$0x1C400] =	vst v63  }
0x5d: {  	v3 =	vld [tilespmem:$0x30];
	_ =	sdelay $0x4  }
0x5e: {  	v63 =	vshll.u32 v3, $0x3  }
0x5f: {  	v3 =	vand.u32 $0x7, v3;
	v4 =	vand.u32 $0xFFFFFFC0, v63  }
0x60: {  	v3 =	vor.u32 v3, v4  }
0x61: {  	v4 =	vperm.xlane v3, v0;
	_ =	sdelay $0x1  }
0x62: {  	v4 =	vadd.s32 v1, v4;
	_ =	sdelay $0x3  }
0x63: {  	s13 =	simm.s32 $0xC400  }
0x64: {  	[tilespmem:s13], [sflag:$0x4] =	stream.indirect_vreg.gather [hbm4b:s2+s3], $0x80, v4, vm0, $0xb8;
	[tilespmem:$0x1C400] =	vst v63  }
0x65: {  	v3 =	vperm.xlane v3, v2  }
0x66: {  	[tilespmem:s14], [sflag:$0x4] =	stream.indirect_vreg.gather [hbm4b:s5+s3], $0x80, v4, vm0, $0xb8;
	[tilespmem:$0x1C400] =	vst v63  }
0x67: {  	v3 =	vadd.s32 v1, v3  }
0x68: {  	[tilespmem:s15], [sflag:$0x4] =	stream.indirect_vreg.gather [hbm4b:s6+s3], $0x80, v4, vm0, $0xb8;
	[tilespmem:$0x1C400] =	vst v63  }
0x69: {  	_ = 	snop  }
0x6a: {  	[tilespmem:s16], [sflag:$0x4] =	stream.indirect_vreg.gather [hbm4b:s7+s3], $0x80, v4, vm0, $0xb8;
	[tilespmem:$0x1C400] =	vst v63  }
0x6b: {  	_ = 	snop  }
0x6c: {  	[tilespmem:s17], [sflag:$0x4] =	stream.indirect_vreg.gather [hbm4b:s2+s3], $0x80, v3, vm0, $0xb8;
	[tilespmem:$0x1C400] =	vst v63  }
0x6d: {  	_ = 	snop  }
0x6e: {  	[tilespmem:s18], [sflag:$0x4] =	stream.indirect_vreg.gather [hbm4b:s5+s3], $0x80, v3, vm0, $0xb8;
	[tilespmem:$0x1C400] =	vst v63  }
.Ltmp2:
0x6f: {  	_ = 	snop;
	(pc) =	sbr.rel .LBB2_2-.Ltmp2, $4  }
0x70: {  	_ = 	snop  }
0x71: {  	[tilespmem:s19], [sflag:$0x4] =	stream.indirect_vreg.gather [hbm4b:s6+s3], $0x80, v3, vm0, $0xb8;
	[tilespmem:$0x1C400] =	vst v63  }
0x72: {  	s29 =	simm.s32 $0x40;
	s31 =	simm.s32 $0x0;
	s9 =	smov.u32 s30  }
0x73: {  	[tilespmem:s20], [sflag:$0x4] =	stream.indirect_vreg.gather [hbm4b:s7+s3], $0x80, v3, vm0, $0xb8;
	[tilespmem:$0x1C400] =	vst v63  }
.LBB2_13:
0x74: {  	s11 =	sadd.s32 $0x4, s31  }
0x75: {  	v3 =	vld [tilespmem:s29+$0x0];
	s12 =	smul.u32 $0x25, s11;
	_ =	sdelay $0x1  }
0x76: {  	s12 =	sshrl.u32 s12, $0x8  }
0x77: {  	s13 =	ssub.s32 s11, s12  }
0x78: {  	s13 =	sand.u32 $0xFE, s13  }
0x79: {  	v4 =	vshll.u32 v3, $0x3;
	s13 =	sshrl.u32 s13, $0x1  }
0x7a: {  	v3 =	vand.u32 $0x7, v3;
	v4 =	vand.u32 $0xFFFFFFC0, v4;
	s12 =	sadd.s32 s12, s13  }
0x7b: {  	v3 =	vor.u32 v3, v4;
	s12 =	sand.u32 $0xFC, s12  }
0x7c: {  	v4 =	vperm.xlane v3, v0;
	s12 =	sshrl.u32 s12, $0x2  }
0x7d: {  	s12 =	smul.u32 $0x7, s12  }
0x7e: {  	v4 =	vadd.s32 v1, v4  }
0x7f: {  	s11 =	ssub.s32 s11, s12  }
0x80: {  	s11 =	sand.u32 $0xFF, s11  }
0x81: {  	s11 =	sshll.u32 s11, $0xE  }
0x82: {  	s13 =	sor.u32 $0x400, s11  }
0x83: {  	[tilespmem:s13], [sflag:s0] =	stream.indirect_vreg.gather [hbm4b:s2+s3], $0x80, v4, vm0, $0xb8;
	[tilespmem:$0x1C400] =	vst v63  }
0x84: {  	v3 =	vperm.xlane v3, v2;
	s13 =	sor.u32 $0xC00, s11  }
0x85: {  	[tilespmem:s13], [sflag:s0] =	stream.indirect_vreg.gather [hbm4b:s5+s3], $0x80, v4, vm0, $0xb8;
	[tilespmem:$0x1C400] =	vst v63  }
0x86: {  	v3 =	vadd.s32 v1, v3;
	s13 =	sor.u32 $0x1400, s11  }
0x87: {  	[tilespmem:s13], [sflag:s0] =	stream.indirect_vreg.gather [hbm4b:s6+s3], $0x80, v4, vm0, $0xb8;
	[tilespmem:$0x1C400] =	vst v63  }
0x88: {  	s13 =	sor.u32 $0x1C00, s11  }
0x89: {  	[tilespmem:s13], [sflag:s0] =	stream.indirect_vreg.gather [hbm4b:s7+s3], $0x80, v4, vm0, $0xb8;
	[tilespmem:$0x1C400] =	vst v63  }
0x8a: {  	s13 =	sor.u32 $0x2400, s11  }
0x8b: {  	[tilespmem:s13], [sflag:s0] =	stream.indirect_vreg.gather [hbm4b:s2+s3], $0x80, v3, vm0, $0xb8;
	[tilespmem:$0x1C400] =	vst v63  }
0x8c: {  	s13 =	sor.u32 $0x2C00, s11  }
0x8d: {  	[tilespmem:s13], [sflag:s0] =	stream.indirect_vreg.gather [hbm4b:s5+s3], $0x80, v3, vm0, $0xb8;
	[tilespmem:$0x1C400] =	vst v63  }
0x8e: {  	s13 =	sor.u32 $0x3400, s11  }
0x8f: {  	[tilespmem:s13], [sflag:s0] =	stream.indirect_vreg.gather [hbm4b:s6+s3], $0x80, v3, vm0, $0xb8;
	[tilespmem:$0x1C400] =	vst v63  }
0x90: {  	s11 =	sor.u32 $0x3C00, s11  }
0x91: {  	[tilespmem:s11], [sflag:s0] =	stream.indirect_vreg.gather [hbm4b:s7+s3], $0x80, v3, vm0, $0xb8;
	[tilespmem:$0x1C400] =	vst v63  }
.LBB2_14:
0x92: {  	s0 =	smul.u32 $0x25, s31;
	_ =	sdelay $0x1  }
0x93: {  	s0 =	sshrl.u32 s0, $0x8  }
0x94: {  	s11 =	ssub.s32 s31, s0  }
0x95: {  	s11 =	sand.u32 $0xFE, s11  }
0x96: {  	s11 =	sshrl.u32 s11, $0x1  }
0x97: {  	s0 =	sadd.s32 s0, s11  }
0x98: {  	s0 =	sand.u32 $0xFC, s0  }
0x99: {  	s0 =	sshrl.u32 s0, $0x2  }
0x9a: {  	s0 =	smul.u32 $0x7, s0;
	_ =	sdelay $0x1  }
0x9b: {  	s0 =	ssub.s32 s31, s0;
	s31 =	sadd.s32 $0x1, s31  }
0x9c: {  	p0 =	sne.s32 s31, $0x40  }
.Ltmp3:
0x9d: {  	s0 =	sand.u32 $0xFF, s0;
	(pc) =	sbr.rel @!p0 .LBB2_15-.Ltmp3, $4  }
0x9e: {  	s0 =	sshll.u32 s0, $0xE  }
0x9f: {  	s0 =	sor.u32 $0x400, s0  }
0xa0: {  	[hbm4b:s9+s3] =	stream.linear.scatter [tilespmem:s0], [sflag:s1], $0x4000, $0x38;
	[tilespmem:$0x1C400] =	vst v63  }
0xa1: {  	s29 =	sadd.s32 $0x10, s29;
	s9 =	sadd.s32 $0x800, s9  }
.LBB2_2:
0xa2: {  	s0 =	sand.u32 $0x3, s31  }
0xa3: {  	p0 =	sgt.s32 s0, $0x1  }
.Ltmp4:
0xa4: {  	_ = 	snop;
	(pc) =	sbr.rel @p0 .LBB2_10-.Ltmp4, $1  }
0xa5: {  	_ =	sdelay $0x3  }
0xa6: {  	p0 =	seq.s32 s0, $0x0  }
.Ltmp5:
0xa7: {  	_ = 	snop;
	(pc) =	sbr.rel @!p0 .LBB2_6-.Ltmp5, $1  }
0xa8: {  	_ =	sdelay $0x3  }
0xa9: {  	p0 =	slt.u32 s31, $0x2  }
0xaa: {  	p1 =	slt.u32 @!p0 s31, $0x3C  }
0xab: {  	_ =	swait.ge [sflag:s21], $0x4000;
	p1 =	por p0, p1  }
.Ltmp6:
0xac: {  	[sflag:s21] =	ssyncset.done $0x0;
	(pc) =	sbr.rel @!p1 .LBB2_14-.Ltmp6, $4  }
0xad: {  	s1 =	simm.s32 @!p0 $0x5;
	[sflag:s21] =	ssyncadd.s32 $0xFFFFC000  }
0xae: {  	_ =	swait.ge @!p0 [sflag:s1], $0x4000  }
0xaf: {  	[sflag:s1] =	ssyncset.done @!p0 $0x0  }
0xb0: {  	[sflag:s1] =	ssyncadd.s32 @!p0 $0xFFFFC000  }
.Ltmp7:
0xb1: {  	(pc) =	sbr.rel .LBB2_13-.Ltmp7, $3  }
0xb2: {  	_ =	sdelay $0x1  }
0xb3: {  	s0 =	simm.s32 @!p0 $0x1  }
0xb4: {  	s1 =	simm.s32 @p0 $0x5;
	s0 =	simm.s32 @p0 $0x1  }
.LBB2_10:
0xb5: {  	p2 =	seq.s32 s0, $0x2  }
.Ltmp8:
0xb6: {  	_ = 	snop;
	(pc) =	sbr.rel @!p2 .LBB2_11-.Ltmp8, $3  }
0xb7: {  	_ =	sdelay $0x1  }
0xb8: {  	p0 =	slt.u32 s31, $0x2  }
0xb9: {  	p1 =	slt.u32 @!p0 s31, $0x3C  }
0xba: {  	_ =	swait.ge [sflag:s25], $0x4000;
	p1 =	por p0, p1  }
.Ltmp9:
0xbb: {  	[sflag:s25] =	ssyncset.done $0x0;
	(pc) =	sbr.rel @!p1 .LBB2_14-.Ltmp9, $4  }
0xbc: {  	s1 =	simm.s32 @!p0 $0x5;
	[sflag:s25] =	ssyncadd.s32 $0xFFFFC000  }
0xbd: {  	_ =	swait.ge @!p0 [sflag:s1], $0x4000  }
0xbe: {  	[sflag:s1] =	ssyncset.done @!p0 $0x0  }
0xbf: {  	[sflag:s1] =	ssyncadd.s32 @!p0 $0xFFFFC000  }
.Ltmp10:
0xc0: {  	(pc) =	sbr.rel .LBB2_13-.Ltmp10, $3  }
0xc1: {  	_ =	sdelay $0x1  }
0xc2: {  	s0 =	simm.s32 @!p0 $0x3  }
0xc3: {  	s1 =	simm.s32 @p0 $0x5;
	s0 =	simm.s32 @p0 $0x3  }
.LBB2_6:
0xc4: {  	p0 =	slt.u32 s31, $0x2  }
0xc5: {  	p1 =	slt.u32 @!p0 s31, $0x3C  }
0xc6: {  	_ =	swait.ge [sflag:s23], $0x4000;
	p1 =	por p0, p1  }
.Ltmp11:
0xc7: {  	[sflag:s23] =	ssyncset.done $0x0;
	(pc) =	sbr.rel @!p1 .LBB2_14-.Ltmp11, $4  }
0xc8: {  	s1 =	simm.s32 @!p0 $0x6;
	[sflag:s23] =	ssyncadd.s32 $0xFFFFC000  }
0xc9: {  	_ =	swait.ge @!p0 [sflag:s1], $0x4000  }
0xca: {  	[sflag:s1] =	ssyncset.done @!p0 $0x0  }
0xcb: {  	[sflag:s1] =	ssyncadd.s32 @!p0 $0xFFFFC000  }
.Ltmp12:
0xcc: {  	(pc) =	sbr.rel .LBB2_13-.Ltmp12, $3  }
0xcd: {  	_ =	sdelay $0x1  }
0xce: {  	s0 =	simm.s32 @!p0 $0x2  }
0xcf: {  	s1 =	simm.s32 @p0 $0x6;
	s0 =	simm.s32 @p0 $0x2  }
.LBB2_11:
0xd0: {  	_ =	swait.ge [sflag:s26], $0x4000;
	p1 =	por p0, p1  }
.Ltmp13:
0xd1: {  	[sflag:s26] =	ssyncset.done $0x0;
	(pc) =	sbr.rel @!p1 .LBB2_14-.Ltmp13, $4  }
0xd2: {  	s1 =	simm.s32 @!p0 $0x6;
	[sflag:s26] =	ssyncadd.s32 $0xFFFFC000  }
0xd3: {  	_ =	swait.ge @!p0 [sflag:s1], $0x4000  }
0xd4: {  	[sflag:s1] =	ssyncset.done @!p0 $0x0  }
0xd5: {  	[sflag:s1] =	ssyncadd.s32 @!p0 $0xFFFFC000  }
.Ltmp14:
0xd6: {  	(pc) =	sbr.rel .LBB2_13-.Ltmp14, $3  }
0xd7: {  	_ =	sdelay $0x1  }
0xd8: {  	s0 =	simm.s32 @!p0 $0x4  }
0xd9: {  	s1 =	simm.s32 @p0 $0x6;
	s0 =	simm.s32 @p0 $0x4  }
.LBB2_16:
0xda: {  	_ =	sfence.sel $0x180000  }
0xdb: {  	[bflag:$0x0] =	sbarrier.arrive $0xFFFF  }
0xdc: {  	_ =	strace $0x90000047  }
0xdd: {  	s0 =	stileid.u32;
	[bflag:$0x2] =	sbarrier.arrive $0xFFFF  }
0xde: {  	p0 =	sne.s32 s0, $0x0;
	s0 =	rddreg [dreg:$0x3]  }
0xdf: {  	s0 =	sadd.s32 @!p0 $0x100000, s0  }
0xe0: {  	[sflag:s0] =	ssyncadd.tile.s32 @!p0 $0x1;
	_ =	shalt  }
.Lfunc_end2:
_tile_overlayer_lowered:
.L_overlay_start_2:
0xe1: {  	(tag) =	ssettag $0x2  }
0xe2: {  	s0 =	rddreg [dreg:$0x0];
	s2 =	stileid.u32  }
0xe3: {  	s1 =	rddreg [dreg:$0x1];
	p0 =	sne.s32 s2, $0x0  }
0xe4: {  	s3 =	rddreg [dreg:$0x2];
	[bflag:$0x3] =	sbarrier.arrive $0xFFFF;
	s2 =	simm.s32 @!p0 $0x1C07  }
0xe5: {  	[timem:s3], [sflag:s2] =	dma.local @!p0 [hbm:s0], s1  }
0xe6: {  	s0 =	simm.s32 @!p0 $0x7  }
0xe7: {  	_ =	swait.ge @!p0 [sflag:s0], s1  }
0xe8: {  	s1 =	ssub.s32 @!p0 $0x0, s1;
	[sflag:s0] =	ssyncset.done @!p0 $0x0  }
0xe9: {  	[sflag:s0] =	ssyncadd.s32 @!p0 s1  }
0xea: {  	[bflag:$0x3] =	sbarrier.arrive $0xFFFF  }
0xeb: {  	_ =	shalt  }

</sc_bundles>
